<compile_context>
chip_gen: v7x
topology: tpu7x:2x2x1
jax: 0.10.2.dev20260603
libtpu: 0.0.44.dev20260713+nightly
codegen_flags: <defaults>
</compile_context>

<pallas_src>
import functools

import numpy as np
import jax
import jax.numpy as jnp
from jax import lax
from jax.experimental import pallas as pl
from jax.experimental.pallas import tpu as pltpu
from jax.experimental.pallas import tpu_sc as plsc

N = 10000
D = 128
E = 320000
ALPHA = 0.1
BETA = float(np.log(1.5))

NC, NS = 2, 16
NW = NC * NS
CHUNK = 100
NCHUNK = 100
NPH = 4
CPP = NCHUNK // NPH
NPAD = 10112
RPS = NPAD // NS
NPC = 10240
RPSC = NPC // NS

_mesh = plsc.VectorSubcoreMesh(core_axis_name="c", subcore_axis_name="s")


@functools.partial(
    pl.kernel,
    out_type=jax.ShapeDtypeStruct((NC, NPC), jnp.float32),
    mesh=_mesh,
    scratch_types=[
        pltpu.VMEM((CPP, CHUNK), jnp.int32),
        pltpu.VMEM((128,), jnp.float32),
        pltpu.VMEM_SHARED((NPC,), jnp.float32),
    ],
)
def _sc_count(col_hbm, cnt_hbm, idx_v, ones_v, cnt_sh):
    c = lax.axis_index("c")
    s = lax.axis_index("s")
    w = c * NS + s
    for k in range(8):
        ones_v[pl.ds(k * 16, 16)] = jnp.zeros((16,), jnp.float32)
    for t in range(RPSC // 128):
        pltpu.sync_copy(ones_v, cnt_sh.at[pl.ds(s * RPSC + t * 128, 128)])
    for k in range(8):
        ones_v[pl.ds(k * 16, 16)] = jnp.ones((16,), jnp.float32)
    plsc.subcore_barrier()

    def phase(h, carry):
        pltpu.sync_copy(col_hbm.at[w, h], idx_v)

        def body(j, carry2):
            pltpu.sync_copy(ones_v.at[pl.ds(0, CHUNK)],
                            cnt_sh.at[idx_v.at[j]], add=True)
            return carry2

        lax.fori_loop(0, CPP, body, 0)
        return carry

    lax.fori_loop(0, NPH, phase, 0)
    plsc.subcore_barrier()
    pltpu.sync_copy(cnt_sh.at[pl.ds(s * RPSC, RPSC)],
                    cnt_hbm.at[c, pl.ds(s * RPSC, RPSC)])


@functools.partial(
    pl.kernel,
    out_type=jax.ShapeDtypeStruct((NC, NPAD, D), jnp.float32),
    mesh=_mesh,
    scratch_types=[
        pltpu.VMEM((CPP, CHUNK), jnp.int32),
        pltpu.VMEM((CPP, CHUNK), jnp.int32),
        pltpu.VMEM((3, CHUNK, D), jnp.float32),
        pltpu.VMEM_SHARED((NPAD, D), jnp.float32),
        pltpu.SemaphoreType.DMA((3,)),
    ],
)
def _sc_aggregate(xs_hbm, row_hbm, col_hbm, agg_hbm,
                  row_v, col_v, buf2, agg_sh, sem2):
    c = lax.axis_index("c")
    s = lax.axis_index("s")
    w = c * NS + s

    def zbody(i, carry):
        for k in range(D // 16):
            buf2[0, i, pl.ds(k * 16, 16)] = jnp.zeros((16,), jnp.float32)
        return carry

    lax.fori_loop(0, CHUNK, zbody, 0)
    for t in range(6):
        pltpu.sync_copy(buf2.at[0, pl.ds(0, 96)],
                        agg_sh.at[pl.ds(s * RPS + t * 96, 96)])
    pltpu.sync_copy(buf2.at[0, pl.ds(0, 56)],
                    agg_sh.at[pl.ds(s * RPS + 576, 56)])
    plsc.subcore_barrier()

    def phase(h, carry):
        pltpu.sync_copy(row_hbm.at[w, h], row_v)
        pltpu.sync_copy(col_hbm.at[w, h], col_v)

        def body(j, carry2):
            @pl.when(j < CPP)
            def _():
                b = j % 3
                pltpu.async_copy(xs_hbm.at[row_v.at[j]], buf2.at[b],
                                 sem2.at[b])

            @pl.when(j > 1)
            def _():
                p = (j - 2) % 3
                pltpu.make_async_copy(xs_hbm.at[row_v.at[0]],
                                      buf2.at[p], sem2.at[p]).wait()
                pltpu.sync_copy(buf2.at[p], agg_sh.at[col_v.at[j - 2]],
                                add=True)

            return carry2

        lax.fori_loop(0, CPP + 2, body, 0)
        return carry

    lax.fori_loop(0, NPH, phase, 0)
    plsc.subcore_barrier()
    pltpu.sync_copy(agg_sh.at[pl.ds(s * RPS, RPS)],
                    agg_hbm.at[c, pl.ds(s * RPS, RPS)])


def _prep_body(dinv_ref, x_ref, xs_ref):
    xs_ref[...] = x_ref[...] * dinv_ref[...]


_prep = pl.pallas_call(
    _prep_body,
    grid=(10,),
    in_specs=[pl.BlockSpec((N // 10, 1), lambda i: (i, 0)),
              pl.BlockSpec((N // 10, D), lambda i: (i, 0))],
    out_specs=pl.BlockSpec((N // 10, D), lambda i: (i, 0)),
    out_shape=jax.ShapeDtypeStruct((N, D), jnp.float32),
)


def _combine_body(agg_ref, d1_ref, d2_ref, x_ref, x0_ref, wp_ref, out_ref):
    b = agg_ref[0] + agg_ref[1]
    support = d1_ref[...] * b + d2_ref[...] * x_ref[...] + ALPHA * x0_ref[...]
    out_ref[...] = jnp.dot(support, wp_ref[...],
                           preferred_element_type=jnp.float32)


_combine = pl.pallas_call(
    _combine_body,
    grid=(10,),
    in_specs=[pl.BlockSpec((NC, N // 10, D), lambda i: (0, i, 0)),
              pl.BlockSpec((N // 10, 1), lambda i: (i, 0)),
              pl.BlockSpec((N // 10, 1), lambda i: (i, 0)),
              pl.BlockSpec((N // 10, D), lambda i: (i, 0)),
              pl.BlockSpec((N // 10, D), lambda i: (i, 0)),
              pl.BlockSpec((D, D), lambda i: (0, 0))],
    out_specs=pl.BlockSpec((N // 10, D), lambda i: (i, 0)),
    out_shape=jax.ShapeDtypeStruct((N, D), jnp.float32),
)


def kernel(x, edge_index, x0, W):
    row_p = edge_index[0].reshape(NW, NPH, CPP, CHUNK)
    col_p = edge_index[1].reshape(NW, NPH, CPP, CHUNK)

    cnt2 = _sc_count(col_p)
    deg = cnt2[0, :N] + cnt2[1, :N] + 1.0
    d = lax.rsqrt(deg).reshape(N, 1)

    xs = _prep(d, x)
    agg2 = _sc_aggregate(xs, row_p, col_p)

    d1 = (1.0 - ALPHA) * d
    d2 = d1 * d
    Wp = (1.0 - BETA) * jnp.eye(D, dtype=jnp.float32) + BETA * W
    return _combine(agg2, d1, d2, x, x0, Wp)

# --- scband reference (transcript-rebuilt; emitter-appended) ---
"""Pipeline reference for scband-gcniimessage-layer-37022618092149 (READ-ONLY COPY).

The authoritative reference and input builder live on the scoring server;
editing this copy changes nothing except your own understanding.
"""

import jax, jax.numpy as jnp
import numpy as np

N = 10000
E = 320000
D = 128
ALPHA = 0.1
THETA = 0.5
LAYER = 1  # layer_index + 1
BETA = float(np.log(THETA / LAYER + 1.0))


def setup_inputs(seed: int = 0) -> dict:
    key = jax.random.key(seed)
    k1, k2, k3, k4 = jax.random.split(key, 4)
    x = jax.random.normal(k1, (N, D), dtype=jnp.float32)
    edge_index = jax.random.randint(k2, (2, E), 0, N, dtype=jnp.int32)
    x0 = jax.random.normal(k3, (N, D), dtype=jnp.float32)
    # GCN2Conv weight1 (shared_weights=True => single weight), glorot-style scale
    W = jax.random.normal(k4, (D, D), dtype=jnp.float32) * (1.0 / np.sqrt(D))
    return {"x": x, "edge_index": edge_index, "x0": x0, "W": W}


def reference(x, edge_index, x0, W):
    # gcn_norm with add_self_loops=True, fill_value=1.0
    row = edge_index[0]
    col = edge_index[1]
    loop = jnp.arange(N, dtype=row.dtype)
    row = jnp.concatenate([row, loop])
    col = jnp.concatenate([col, loop])
    ew = jnp.ones(row.shape[0], dtype=x.dtype)
    deg = jnp.zeros((N,), dtype=x.dtype).at[col].add(ew)
    deg_inv_sqrt = jnp.where(deg > 0, jax.lax.rsqrt(jnp.maximum(deg, 1e-12)), 0.0)
    norm = deg_inv_sqrt[row] * ew * deg_inv_sqrt[col]
    # propagate: message = norm * x[src], aggregate sum at dst
    msg = x[row] * norm[:, None]
    agg = jnp.zeros((N, D), dtype=x.dtype).at[col].add(msg)
    # GCN2Conv combine (shared_weights=True):
    # x = (1-alpha)*agg ; x_0 = alpha*x0 ; support = x + x_0
    # out = (1-beta)*support + beta*(support @ W)
    support = (1.0 - ALPHA) * agg + ALPHA * x0
    out = (1.0 - BETA) * support + BETA * (support @ W)
    return out

if __name__ == "__main__":
    import jax
    _d = setup_inputs()
    print(jax.jit(kernel)(*tuple(_d.values())))

</pallas_src>

<mosaic_0001>
#map = affine_map<(d0, d1) -> (0, 0, 0, 0)>
#map1 = affine_map<(d0, d1) -> (0, 0)>
module attributes {stable_mosaic.version = 14 : i64} {
  func.func @_sc_count(%arg0: i32, %arg1: i32, %arg2: memref<32x4x25x100xi32, #tpu.memory_space<hbm>>, %arg3: memref<2x10240xf32, #tpu.memory_space<hbm>>, %arg4: memref<25x100xi32, #tpu.memory_space<vmem>>, %arg5: memref<128xf32, #tpu.memory_space<vmem>>, %arg6: memref<10240xf32, #tpu.memory_space<vmem_shared>>) attributes {dimension_semantics = [#tpu.dimension_semantics<core_parallel>, #tpu.dimension_semantics<subcore_parallel>], iteration_bounds = array<i64: 2, 16>, scalar_prefetch = 0 : i64, scratch_operands = 3 : i64, tpu.core_type = #tpu.core_type<sc_vector_subcore>, window_params = [{transform_indices = #map}, {transform_indices = #map1}]} {
    %mul3A = arith.constant 16 : i32
    %mul3A_0 = arith.muli %arg0, %mul3A : i32
    %add3A = arith.addi %mul3A_0, %arg1 : i32
    %broadcast_in_dim3A = arith.constant 0.000000e+00 : f32
    %broadcast_in_dim3A_1 = vector.broadcast %broadcast_in_dim3A : f32 to vector<16xf32>
    %swap3A = arith.constant 0 : index
    %swap3A_2 = tpu.vector_load %arg5[%swap3A] {strides = array<i32>} : memref<128xf32, #tpu.memory_space<vmem>>, vector<16xf32>,
    %swap3A_3 = vector.shape_cast %swap3A_2 : vector<16xf32> to vector<16xf32>
    %swap3A_4 = vector.shape_cast %broadcast_in_dim3A_1 : vector<16xf32> to vector<16xf32>
    tpu.vector_store %arg5[%swap3A], %swap3A_4 {strides = array<i32>} : memref<128xf32, #tpu.memory_space<vmem>>, vector<16xf32>,
    %broadcast_in_dim3A_5 = arith.constant 0.000000e+00 : f32
    %broadcast_in_dim3A_6 = vector.broadcast %broadcast_in_dim3A_5 : f32 to vector<16xf32>
    %swap3A_7 = arith.constant 16 : index
    %swap3A_8 = tpu.vector_load %arg5[%swap3A_7] {strides = array<i32>} : memref<128xf32, #tpu.memory_space<vmem>>, vector<16xf32>,
    %swap3A_9 = vector.shape_cast %swap3A_8 : vector<16xf32> to vector<16xf32>
    %swap3A_10 = vector.shape_cast %broadcast_in_dim3A_6 : vector<16xf32> to vector<16xf32>
    tpu.vector_store %arg5[%swap3A_7], %swap3A_10 {strides = array<i32>} : memref<128xf32, #tpu.memory_space<vmem>>, vector<16xf32>,
    %broadcast_in_dim3A_11 = arith.constant 0.000000e+00 : f32
    %broadcast_in_dim3A_12 = vector.broadcast %broadcast_in_dim3A_11 : f32 to vector<16xf32>
    %swap3A_13 = arith.constant 32 : index
    %swap3A_14 = tpu.vector_load %arg5[%swap3A_13] {strides = array<i32>} : memref<128xf32, #tpu.memory_space<vmem>>, vector<16xf32>,
    %swap3A_15 = vector.shape_cast %swap3A_14 : vector<16xf32> to vector<16xf32>
    %swap3A_16 = vector.shape_cast %broadcast_in_dim3A_12 : vector<16xf32> to vector<16xf32>
    tpu.vector_store %arg5[%swap3A_13], %swap3A_16 {strides = array<i32>} : memref<128xf32, #tpu.memory_space<vmem>>, vector<16xf32>,
    %broadcast_in_dim3A_17 = arith.constant 0.000000e+00 : f32
    %broadcast_in_dim3A_18 = vector.broadcast %broadcast_in_dim3A_17 : f32 to vector<16xf32>
    %swap3A_19 = arith.constant 48 : index
    %swap3A_20 = tpu.vector_load %arg5[%swap3A_19] {strides = array<i32>} : memref<128xf32, #tpu.memory_space<vmem>>, vector<16xf32>,
    %swap3A_21 = vector.shape_cast %swap3A_20 : vector<16xf32> to vector<16xf32>
    %swap3A_22 = vector.shape_cast %broadcast_in_dim3A_18 : vector<16xf32> to vector<16xf32>
    tpu.vector_store %arg5[%swap3A_19], %swap3A_22 {strides = array<i32>} : memref<128xf32, #tpu.memory_space<vmem>>, vector<16xf32>,
    %broadcast_in_dim3A_23 = arith.constant 0.000000e+00 : f32
    %broadcast_in_dim3A_24 = vector.broadcast %broadcast_in_dim3A_23 : f32 to vector<16xf32>
    %swap3A_25 = arith.constant 64 : index
    %swap3A_26 = tpu.vector_load %arg5[%swap3A_25] {strides = array<i32>} : memref<128xf32, #tpu.memory_space<vmem>>, vector<16xf32>,
    %swap3A_27 = vector.shape_cast %swap3A_26 : vector<16xf32> to vector<16xf32>
    %swap3A_28 = vector.shape_cast %broadcast_in_dim3A_24 : vector<16xf32> to vector<16xf32>
    tpu.vector_store %arg5[%swap3A_25], %swap3A_28 {strides = array<i32>} : memref<128xf32, #tpu.memory_space<vmem>>, vector<16xf32>,
    %broadcast_in_dim3A_29 = arith.constant 0.000000e+00 : f32
    %broadcast_in_dim3A_30 = vector.broadcast %broadcast_in_dim3A_29 : f32 to vector<16xf32>
    %swap3A_31 = arith.constant 80 : index
    %swap3A_32 = tpu.vector_load %arg5[%swap3A_31] {strides = array<i32>} : memref<128xf32, #tpu.memory_space<vmem>>, vector<16xf32>,
    %swap3A_33 = vector.shape_cast %swap3A_32 : vector<16xf32> to vector<16xf32>
    %swap3A_34 = vector.shape_cast %broadcast_in_dim3A_30 : vector<16xf32> to vector<16xf32>
    tpu.vector_store %arg5[%swap3A_31], %swap3A_34 {strides = array<i32>} : memref<128xf32, #tpu.memory_space<vmem>>, vector<16xf32>,
    %broadcast_in_dim3A_35 = arith.constant 0.000000e+00 : f32
    %broadcast_in_dim3A_36 = vector.broadcast %broadcast_in_dim3A_35 : f32 to vector<16xf32>
    %swap3A_37 = arith.constant 96 : index
    %swap3A_38 = tpu.vector_load %arg5[%swap3A_37] {strides = array<i32>} : memref<128xf32, #tpu.memory_space<vmem>>, vector<16xf32>,
    %swap3A_39 = vector.shape_cast %swap3A_38 : vector<16xf32> to vector<16xf32>
    %swap3A_40 = vector.shape_cast %broadcast_in_dim3A_36 : vector<16xf32> to vector<16xf32>
    tpu.vector_store %arg5[%swap3A_37], %swap3A_40 {strides = array<i32>} : memref<128xf32, #tpu.memory_space<vmem>>, vector<16xf32>,
    %broadcast_in_dim3A_41 = arith.constant 0.000000e+00 : f32
    %broadcast_in_dim3A_42 = vector.broadcast %broadcast_in_dim3A_41 : f32 to vector<16xf32>
    %swap3A_43 = arith.constant 112 : index
    %swap3A_44 = tpu.vector_load %arg5[%swap3A_43] {strides = array<i32>} : memref<128xf32, #tpu.memory_space<vmem>>, vector<16xf32>,
    %swap3A_45 = vector.shape_cast %swap3A_44 : vector<16xf32> to vector<16xf32>
    %swap3A_46 = vector.shape_cast %broadcast_in_dim3A_42 : vector<16xf32> to vector<16xf32>
    tpu.vector_store %arg5[%swap3A_43], %swap3A_46 {strides = array<i32>} : memref<128xf32, #tpu.memory_space<vmem>>, vector<16xf32>,
    %mul3A_47 = arith.constant 640 : i32
    %mul3A_48 = arith.muli %arg1, %mul3A_47 : i32
    %add3A_49 = arith.constant 0 : i32
    %add3A_50 = arith.addi %mul3A_48, %add3A_49 : i32
    "tpu.region"() ({
      %run_scoped3A = tpu.sem_alloc : memref<!tpu.dma_semaphore, #tpu.memory_space<semaphore_mem>>
      %dma_start3A = tpu.memref_slice %arg6[%add3A_50] : memref<10240xf32, #tpu.memory_space<vmem_shared>> -> memref<128xf32, #tpu.memory_space<vmem_shared>>
      %dma_start3A_125 = tpu.memref_slice %arg6[%add3A_50] : memref<10240xf32, #tpu.memory_space<vmem_shared>> -> memref<128xf32, #tpu.memory_space<vmem_shared>>
      tpu.enqueue_dma source(%arg5 : memref<128xf32, #tpu.memory_space<vmem>>) target(%dma_start3A_125 : memref<128xf32, #tpu.memory_space<vmem_shared>>) target_semaphore(%run_scoped3A : memref<!tpu.dma_semaphore, #tpu.memory_space<semaphore_mem>>)
      %dma_wait3A = tpu.memref_slice %arg6[%add3A_50] : memref<10240xf32, #tpu.memory_space<vmem_shared>> -> memref<128xf32, #tpu.memory_space<vmem_shared>>
      %dma_wait3A_126 = tpu.memref_slice %arg6[%add3A_50] : memref<10240xf32, #tpu.memory_space<vmem_shared>> -> memref<128xf32, #tpu.memory_space<vmem_shared>>
      tpu.wait_dma2 semaphore(%run_scoped3A : memref<!tpu.dma_semaphore, #tpu.memory_space<semaphore_mem>>) src(%arg5 : memref<128xf32, #tpu.memory_space<vmem>>) dst(%dma_wait3A_126 : memref<128xf32, #tpu.memory_space<vmem_shared>>)
      tpu.yield
    }) : () -> ()
    %mul3A_51 = arith.constant 640 : i32
    %mul3A_52 = arith.muli %arg1, %mul3A_51 : i32
    %add3A_53 = arith.constant 128 : i32
    %add3A_54 = arith.addi %mul3A_52, %add3A_53 : i32
    "tpu.region"() ({
      %run_scoped3A = tpu.sem_alloc : memref<!tpu.dma_semaphore, #tpu.memory_space<semaphore_mem>>
      %dma_start3A = tpu.memref_slice %arg6[%add3A_54] : memref<10240xf32, #tpu.memory_space<vmem_shared>> -> memref<128xf32, #tpu.memory_space<vmem_shared>>
      %dma_start3A_125 = tpu.memref_slice %arg6[%add3A_54] : memref<10240xf32, #tpu.memory_space<vmem_shared>> -> memref<128xf32, #tpu.memory_space<vmem_shared>>
      tpu.enqueue_dma source(%arg5 : memref<128xf32, #tpu.memory_space<vmem>>) target(%dma_start3A_125 : memref<128xf32, #tpu.memory_space<vmem_shared>>) target_semaphore(%run_scoped3A : memref<!tpu.dma_semaphore, #tpu.memory_space<semaphore_mem>>)
      %dma_wait3A = tpu.memref_slice %arg6[%add3A_54] : memref<10240xf32, #tpu.memory_space<vmem_shared>> -> memref<128xf32, #tpu.memory_space<vmem_shared>>
      %dma_wait3A_126 = tpu.memref_slice %arg6[%add3A_54] : memref<10240xf32, #tpu.memory_space<vmem_shared>> -> memref<128xf32, #tpu.memory_space<vmem_shared>>
      tpu.wait_dma2 semaphore(%run_scoped3A : memref<!tpu.dma_semaphore, #tpu.memory_space<semaphore_mem>>) src(%arg5 : memref<128xf32, #tpu.memory_space<vmem>>) dst(%dma_wait3A_126 : memref<128xf32, #tpu.memory_space<vmem_shared>>)
      tpu.yield
    }) : () -> ()
    %mul3A_55 = arith.constant 640 : i32
    %mul3A_56 = arith.muli %arg1, %mul3A_55 : i32
    %add3A_57 = arith.constant 256 : i32
    %add3A_58 = arith.addi %mul3A_56, %add3A_57 : i32
    "tpu.region"() ({
      %run_scoped3A = tpu.sem_alloc : memref<!tpu.dma_semaphore, #tpu.memory_space<semaphore_mem>>
      %dma_start3A = tpu.memref_slice %arg6[%add3A_58] : memref<10240xf32, #tpu.memory_space<vmem_shared>> -> memref<128xf32, #tpu.memory_space<vmem_shared>>
      %dma_start3A_125 = tpu.memref_slice %arg6[%add3A_58] : memref<10240xf32, #tpu.memory_space<vmem_shared>> -> memref<128xf32, #tpu.memory_space<vmem_shared>>
      tpu.enqueue_dma source(%arg5 : memref<128xf32, #tpu.memory_space<vmem>>) target(%dma_start3A_125 : memref<128xf32, #tpu.memory_space<vmem_shared>>) target_semaphore(%run_scoped3A : memref<!tpu.dma_semaphore, #tpu.memory_space<semaphore_mem>>)
      %dma_wait3A = tpu.memref_slice %arg6[%add3A_58] : memref<10240xf32, #tpu.memory_space<vmem_shared>> -> memref<128xf32, #tpu.memory_space<vmem_shared>>
      %dma_wait3A_126 = tpu.memref_slice %arg6[%add3A_58] : memref<10240xf32, #tpu.memory_space<vmem_shared>> -> memref<128xf32, #tpu.memory_space<vmem_shared>>
      tpu.wait_dma2 semaphore(%run_scoped3A : memref<!tpu.dma_semaphore, #tpu.memory_space<semaphore_mem>>) src(%arg5 : memref<128xf32, #tpu.memory_space<vmem>>) dst(%dma_wait3A_126 : memref<128xf32, #tpu.memory_space<vmem_shared>>)
      tpu.yield
    }) : () -> ()
    %mul3A_59 = arith.constant 640 : i32
    %mul3A_60 = arith.muli %arg1, %mul3A_59 : i32
    %add3A_61 = arith.constant 384 : i32
    %add3A_62 = arith.addi %mul3A_60, %add3A_61 : i32
    "tpu.region"() ({
      %run_scoped3A = tpu.sem_alloc : memref<!tpu.dma_semaphore, #tpu.memory_space<semaphore_mem>>
      %dma_start3A = tpu.memref_slice %arg6[%add3A_62] : memref<10240xf32, #tpu.memory_space<vmem_shared>> -> memref<128xf32, #tpu.memory_space<vmem_shared>>
      %dma_start3A_125 = tpu.memref_slice %arg6[%add3A_62] : memref<10240xf32, #tpu.memory_space<vmem_shared>> -> memref<128xf32, #tpu.memory_space<vmem_shared>>
      tpu.enqueue_dma source(%arg5 : memref<128xf32, #tpu.memory_space<vmem>>) target(%dma_start3A_125 : memref<128xf32, #tpu.memory_space<vmem_shared>>) target_semaphore(%run_scoped3A : memref<!tpu.dma_semaphore, #tpu.memory_space<semaphore_mem>>)
      %dma_wait3A = tpu.memref_slice %arg6[%add3A_62] : memref<10240xf32, #tpu.memory_space<vmem_shared>> -> memref<128xf32, #tpu.memory_space<vmem_shared>>
      %dma_wait3A_126 = tpu.memref_slice %arg6[%add3A_62] : memref<10240xf32, #tpu.memory_space<vmem_shared>> -> memref<128xf32, #tpu.memory_space<vmem_shared>>
      tpu.wait_dma2 semaphore(%run_scoped3A : memref<!tpu.dma_semaphore, #tpu.memory_space<semaphore_mem>>) src(%arg5 : memref<128xf32, #tpu.memory_space<vmem>>) dst(%dma_wait3A_126 : memref<128xf32, #tpu.memory_space<vmem_shared>>)
      tpu.yield
    }) : () -> ()
    %mul3A_63 = arith.constant 640 : i32
    %mul3A_64 = arith.muli %arg1, %mul3A_63 : i32
    %add3A_65 = arith.constant 512 : i32
    %add3A_66 = arith.addi %mul3A_64, %add3A_65 : i32
    "tpu.region"() ({
      %run_scoped3A = tpu.sem_alloc : memref<!tpu.dma_semaphore, #tpu.memory_space<semaphore_mem>>
      %dma_start3A = tpu.memref_slice %arg6[%add3A_66] : memref<10240xf32, #tpu.memory_space<vmem_shared>> -> memref<128xf32, #tpu.memory_space<vmem_shared>>
      %dma_start3A_125 = tpu.memref_slice %arg6[%add3A_66] : memref<10240xf32, #tpu.memory_space<vmem_shared>> -> memref<128xf32, #tpu.memory_space<vmem_shared>>
      tpu.enqueue_dma source(%arg5 : memref<128xf32, #tpu.memory_space<vmem>>) target(%dma_start3A_125 : memref<128xf32, #tpu.memory_space<vmem_shared>>) target_semaphore(%run_scoped3A : memref<!tpu.dma_semaphore, #tpu.memory_space<semaphore_mem>>)
      %dma_wait3A = tpu.memref_slice %arg6[%add3A_66] : memref<10240xf32, #tpu.memory_space<vmem_shared>> -> memref<128xf32, #tpu.memory_space<vmem_shared>>
      %dma_wait3A_126 = tpu.memref_slice %arg6[%add3A_66] : memref<10240xf32, #tpu.memory_space<vmem_shared>> -> memref<128xf32, #tpu.memory_space<vmem_shared>>
      tpu.wait_dma2 semaphore(%run_scoped3A : memref<!tpu.dma_semaphore, #tpu.memory_space<semaphore_mem>>) src(%arg5 : memref<128xf32, #tpu.memory_space<vmem>>) dst(%dma_wait3A_126 : memref<128xf32, #tpu.memory_space<vmem_shared>>)
      tpu.yield
    }) : () -> ()
    %broadcast_in_dim3A_67 = arith.constant 1.000000e+00 : f32
    %broadcast_in_dim3A_68 = vector.broadcast %broadcast_in_dim3A_67 : f32 to vector<16xf32>
    %swap3A_69 = arith.constant 0 : index
    %swap3A_70 = tpu.vector_load %arg5[%swap3A_69] {strides = array<i32>} : memref<128xf32, #tpu.memory_space<vmem>>, vector<16xf32>,
    %swap3A_71 = vector.shape_cast %swap3A_70 : vector<16xf32> to vector<16xf32>
    %swap3A_72 = vector.shape_cast %broadcast_in_dim3A_68 : vector<16xf32> to vector<16xf32>
    tpu.vector_store %arg5[%swap3A_69], %swap3A_72 {strides = array<i32>} : memref<128xf32, #tpu.memory_space<vmem>>, vector<16xf32>,
    %broadcast_in_dim3A_73 = arith.constant 1.000000e+00 : f32
    %broadcast_in_dim3A_74 = vector.broadcast %broadcast_in_dim3A_73 : f32 to vector<16xf32>
    %swap3A_75 = arith.constant 16 : index
    %swap3A_76 = tpu.vector_load %arg5[%swap3A_75] {strides = array<i32>} : memref<128xf32, #tpu.memory_space<vmem>>, vector<16xf32>,
    %swap3A_77 = vector.shape_cast %swap3A_76 : vector<16xf32> to vector<16xf32>
    %swap3A_78 = vector.shape_cast %broadcast_in_dim3A_74 : vector<16xf32> to vector<16xf32>
    tpu.vector_store %arg5[%swap3A_75], %swap3A_78 {strides = array<i32>} : memref<128xf32, #tpu.memory_space<vmem>>, vector<16xf32>,
    %broadcast_in_dim3A_79 = arith.constant 1.000000e+00 : f32
    %broadcast_in_dim3A_80 = vector.broadcast %broadcast_in_dim3A_79 : f32 to vector<16xf32>
    %swap3A_81 = arith.constant 32 : index
    %swap3A_82 = tpu.vector_load %arg5[%swap3A_81] {strides = array<i32>} : memref<128xf32, #tpu.memory_space<vmem>>, vector<16xf32>,
    %swap3A_83 = vector.shape_cast %swap3A_82 : vector<16xf32> to vector<16xf32>
    %swap3A_84 = vector.shape_cast %broadcast_in_dim3A_80 : vector<16xf32> to vector<16xf32>
    tpu.vector_store %arg5[%swap3A_81], %swap3A_84 {strides = array<i32>} : memref<128xf32, #tpu.memory_space<vmem>>, vector<16xf32>,
    %broadcast_in_dim3A_85 = arith.constant 1.000000e+00 : f32
    %broadcast_in_dim3A_86 = vector.broadcast %broadcast_in_dim3A_85 : f32 to vector<16xf32>
    %swap3A_87 = arith.constant 48 : index
    %swap3A_88 = tpu.vector_load %arg5[%swap3A_87] {strides = array<i32>} : memref<128xf32, #tpu.memory_space<vmem>>, vector<16xf32>,
    %swap3A_89 = vector.shape_cast %swap3A_88 : vector<16xf32> to vector<16xf32>
    %swap3A_90 = vector.shape_cast %broadcast_in_dim3A_86 : vector<16xf32> to vector<16xf32>
    tpu.vector_store %arg5[%swap3A_87], %swap3A_90 {strides = array<i32>} : memref<128xf32, #tpu.memory_space<vmem>>, vector<16xf32>,
    %broadcast_in_dim3A_91 = arith.constant 1.000000e+00 : f32
    %broadcast_in_dim3A_92 = vector.broadcast %broadcast_in_dim3A_91 : f32 to vector<16xf32>
    %swap3A_93 = arith.constant 64 : index
    %swap3A_94 = tpu.vector_load %arg5[%swap3A_93] {strides = array<i32>} : memref<128xf32, #tpu.memory_space<vmem>>, vector<16xf32>,
    %swap3A_95 = vector.shape_cast %swap3A_94 : vector<16xf32> to vector<16xf32>
    %swap3A_96 = vector.shape_cast %broadcast_in_dim3A_92 : vector<16xf32> to vector<16xf32>
    tpu.vector_store %arg5[%swap3A_93], %swap3A_96 {strides = array<i32>} : memref<128xf32, #tpu.memory_space<vmem>>, vector<16xf32>,
    %broadcast_in_dim3A_97 = arith.constant 1.000000e+00 : f32
    %broadcast_in_dim3A_98 = vector.broadcast %broadcast_in_dim3A_97 : f32 to vector<16xf32>
    %swap3A_99 = arith.constant 80 : index
    %swap3A_100 = tpu.vector_load %arg5[%swap3A_99] {strides = array<i32>} : memref<128xf32, #tpu.memory_space<vmem>>, vector<16xf32>,
    %swap3A_101 = vector.shape_cast %swap3A_100 : vector<16xf32> to vector<16xf32>
    %swap3A_102 = vector.shape_cast %broadcast_in_dim3A_98 : vector<16xf32> to vector<16xf32>
    tpu.vector_store %arg5[%swap3A_99], %swap3A_102 {strides = array<i32>} : memref<128xf32, #tpu.memory_space<vmem>>, vector<16xf32>,
    %broadcast_in_dim3A_103 = arith.constant 1.000000e+00 : f32
    %broadcast_in_dim3A_104 = vector.broadcast %broadcast_in_dim3A_103 : f32 to vector<16xf32>
    %swap3A_105 = arith.constant 96 : index
    %swap3A_106 = tpu.vector_load %arg5[%swap3A_105] {strides = array<i32>} : memref<128xf32, #tpu.memory_space<vmem>>, vector<16xf32>,
    %swap3A_107 = vector.shape_cast %swap3A_106 : vector<16xf32> to vector<16xf32>
    %swap3A_108 = vector.shape_cast %broadcast_in_dim3A_104 : vector<16xf32> to vector<16xf32>
    tpu.vector_store %arg5[%swap3A_105], %swap3A_108 {strides = array<i32>} : memref<128xf32, #tpu.memory_space<vmem>>, vector<16xf32>,
    %broadcast_in_dim3A_109 = arith.constant 1.000000e+00 : f32
    %broadcast_in_dim3A_110 = vector.broadcast %broadcast_in_dim3A_109 : f32 to vector<16xf32>
    %swap3A_111 = arith.constant 112 : index
    %swap3A_112 = tpu.vector_load %arg5[%swap3A_111] {strides = array<i32>} : memref<128xf32, #tpu.memory_space<vmem>>, vector<16xf32>,
    %swap3A_113 = vector.shape_cast %swap3A_112 : vector<16xf32> to vector<16xf32>
    %swap3A_114 = vector.shape_cast %broadcast_in_dim3A_110 : vector<16xf32> to vector<16xf32>
    tpu.vector_store %arg5[%swap3A_111], %swap3A_114 {strides = array<i32>} : memref<128xf32, #tpu.memory_space<vmem>>, vector<16xf32>,
    %barrier3A = arith.constant 0 : index
    tpu.barrier barrier_id(%barrier3A)
    %scan3A = arith.constant 0 : i32
    %scan3A_115 = arith.constant 0 : i32
    %scan3A_116 = arith.constant 4 : i32
    %scan3A_117 = arith.addi %scan3A_115, %scan3A_116 : i32
    %scan3A_118 = arith.constant 1 : i32
    scf.for %scan3A_125 = %scan3A_115 to %scan3A_117 step %scan3A_118  : i32 {
      "tpu.region"() ({
        %run_scoped3A = tpu.sem_alloc : memref<!tpu.dma_semaphore, #tpu.memory_space<semaphore_mem>>
        %dma_start3A = arith.constant 0 : i32
        %dma_start3A_132 = arith.constant 0 : i32
        %dma_start3A_133 = tpu.memref_slice %arg2[%add3A, %scan3A_125, %dma_start3A, %dma_start3A_132] : memref<32x4x25x100xi32, #tpu.memory_space<hbm>> -> memref<1x1x25x100xi32, #tpu.memory_space<hbm>>
        %dma_start3A_134 = tpu.memref_squeeze %dma_start3A_133 : memref<1x1x25x100xi32, #tpu.memory_space<hbm>> -> memref<25x100xi32, #tpu.memory_space<hbm>>
        %dma_start3A_135 = arith.constant 0 : i32
        %dma_start3A_136 = arith.constant 0 : i32
        %dma_start3A_137 = tpu.memref_slice %arg2[%add3A, %scan3A_125, %dma_start3A_135, %dma_start3A_136] : memref<32x4x25x100xi32, #tpu.memory_space<hbm>> -> memref<1x1x25x100xi32, #tpu.memory_space<hbm>>
        %dma_start3A_138 = tpu.memref_squeeze %dma_start3A_137 : memref<1x1x25x100xi32, #tpu.memory_space<hbm>> -> memref<25x100xi32, #tpu.memory_space<hbm>>
        tpu.enqueue_dma source(%dma_start3A_138 : memref<25x100xi32, #tpu.memory_space<hbm>>) target(%arg4 : memref<25x100xi32, #tpu.memory_space<vmem>>) target_semaphore(%run_scoped3A : memref<!tpu.dma_semaphore, #tpu.memory_space<semaphore_mem>>)
        %dma_wait3A = arith.constant 0 : i32
        %dma_wait3A_139 = arith.constant 0 : i32
        %dma_wait3A_140 = tpu.memref_slice %arg2[%add3A, %scan3A_125, %dma_wait3A, %dma_wait3A_139] : memref<32x4x25x100xi32, #tpu.memory_space<hbm>> -> memref<1x1x25x100xi32, #tpu.memory_space<hbm>>
        %dma_wait3A_141 = tpu.memref_squeeze %dma_wait3A_140 : memref<1x1x25x100xi32, #tpu.memory_space<hbm>> -> memref<25x100xi32, #tpu.memory_space<hbm>>
        %dma_wait3A_142 = arith.constant 0 : i32
        %dma_wait3A_143 = arith.constant 0 : i32
        %dma_wait3A_144 = tpu.memref_slice %arg2[%add3A, %scan3A_125, %dma_wait3A_142, %dma_wait3A_143] : memref<32x4x25x100xi32, #tpu.memory_space<hbm>> -> memref<1x1x25x100xi32, #tpu.memory_space<hbm>>
        %dma_wait3A_145 = tpu.memref_squeeze %dma_wait3A_144 : memref<1x1x25x100xi32, #tpu.memory_space<hbm>> -> memref<25x100xi32, #tpu.memory_space<hbm>>
        tpu.wait_dma2 semaphore(%run_scoped3A : memref<!tpu.dma_semaphore, #tpu.memory_space<semaphore_mem>>) src(%dma_wait3A_145 : memref<25x100xi32, #tpu.memory_space<hbm>>) dst(%arg4 : memref<25x100xi32, #tpu.memory_space<vmem>>)
        tpu.yield
      }) : () -> ()
      %scan3A_126 = arith.constant 0 : i32
      %scan3A_127 = arith.constant 0 : i32
      %scan3A_128 = arith.constant 25 : i32
      %scan3A_129 = arith.addi %scan3A_127, %scan3A_128 : i32
      %scan3A_130 = arith.constant 1 : i32
      scf.for %scan3A_132 = %scan3A_127 to %scan3A_129 step %scan3A_130  : i32 {
        "tpu.region"() ({
          %run_scoped3A = tpu.sem_alloc : memref<!tpu.dma_semaphore, #tpu.memory_space<semaphore_mem>>
          %dma_start3A = arith.constant 0 : i32
          %dma_start3A_133 = tpu.memref_slice %arg5[%dma_start3A] : memref<128xf32, #tpu.memory_space<vmem>> -> memref<100xf32, #tpu.memory_space<vmem>>
          %dma_start3A_134 = arith.constant 0 : i32
          %dma_start3A_135 = tpu.memref_slice %arg4[%scan3A_132, %dma_start3A_134] : memref<25x100xi32, #tpu.memory_space<vmem>> -> memref<1x100xi32, #tpu.memory_space<vmem>>
          %dma_start3A_136 = tpu.memref_squeeze %dma_start3A_135 : memref<1x100xi32, #tpu.memory_space<vmem>> -> memref<100xi32, #tpu.memory_space<vmem>>
          %dma_start3A_137 = arith.constant 0 : i32
          %dma_start3A_138 = tpu.memref_slice %arg6[%dma_start3A_137] : memref<10240xf32, #tpu.memory_space<vmem_shared>> -> memref<10240xf32, #tpu.memory_space<vmem_shared>>
          tpu.enqueue_indirect_dma source(%dma_start3A_133 : memref<100xf32, #tpu.memory_space<vmem>>) target(%dma_start3A_138 : memref<10240xf32, #tpu.memory_space<vmem_shared>>) offsets(%dma_start3A_136 : memref<100xi32, #tpu.memory_space<vmem>>) semaphore(%run_scoped3A : memref<!tpu.dma_semaphore, #tpu.memory_space<semaphore_mem>>) {add = true}
          %dma_wait3A = arith.constant 0 : i32
          %dma_wait3A_139 = tpu.memref_slice %arg5[%dma_wait3A] : memref<128xf32, #tpu.memory_space<vmem>> -> memref<100xf32, #tpu.memory_space<vmem>>
          %dma_wait3A_140 = arith.constant 0 : i32
          %dma_wait3A_141 = tpu.memref_slice %arg4[%scan3A_132, %dma_wait3A_140] : memref<25x100xi32, #tpu.memory_space<vmem>> -> memref<1x100xi32, #tpu.memory_space<vmem>>
          %dma_wait3A_142 = tpu.memref_squeeze %dma_wait3A_141 : memref<1x100xi32, #tpu.memory_space<vmem>> -> memref<100xi32, #tpu.memory_space<vmem>>
          %dma_wait3A_143 = arith.constant 0 : i32
          %dma_wait3A_144 = tpu.memref_slice %arg6[%dma_wait3A_143] : memref<10240xf32, #tpu.memory_space<vmem_shared>> -> memref<10240xf32, #tpu.memory_space<vmem_shared>>
          tpu.wait_indirect_dma semaphore(%run_scoped3A : memref<!tpu.dma_semaphore, #tpu.memory_space<semaphore_mem>>) src(%dma_wait3A_139 : memref<100xf32, #tpu.memory_space<vmem>>) dst(%dma_wait3A_144 : memref<10240xf32, #tpu.memory_space<vmem_shared>>)
          tpu.yield
        }) : () -> ()
      }
      %scan3A_131 = arith.constant 25 : i32
    }
    %scan3A_119 = arith.constant 4 : i32
    %barrier3A_120 = arith.constant 0 : index
    tpu.barrier barrier_id(%barrier3A_120)
    %mul3A_121 = arith.constant 640 : i32
    %mul3A_122 = arith.muli %arg1, %mul3A_121 : i32
    %mul3A_123 = arith.constant 640 : i32
    %mul3A_124 = arith.muli %arg1, %mul3A_123 : i32
    "tpu.region"() ({
      %run_scoped3A = tpu.sem_alloc : memref<!tpu.dma_semaphore, #tpu.memory_space<semaphore_mem>>
      %dma_start3A = tpu.memref_slice %arg3[%arg0, %mul3A_124] : memref<2x10240xf32, #tpu.memory_space<hbm>> -> memref<1x640xf32, #tpu.memory_space<hbm>>
      %dma_start3A_125 = tpu.memref_squeeze %dma_start3A : memref<1x640xf32, #tpu.memory_space<hbm>> -> memref<640xf32, #tpu.memory_space<hbm>>
      %dma_start3A_126 = tpu.memref_slice %arg6[%mul3A_122] : memref<10240xf32, #tpu.memory_space<vmem_shared>> -> memref<640xf32, #tpu.memory_space<vmem_shared>>
      tpu.enqueue_dma source(%dma_start3A_126 : memref<640xf32, #tpu.memory_space<vmem_shared>>) target(%dma_start3A_125 : memref<640xf32, #tpu.memory_space<hbm>>) target_semaphore(%run_scoped3A : memref<!tpu.dma_semaphore, #tpu.memory_space<semaphore_mem>>)
      %dma_wait3A = tpu.memref_slice %arg3[%arg0, %mul3A_124] : memref<2x10240xf32, #tpu.memory_space<hbm>> -> memref<1x640xf32, #tpu.memory_space<hbm>>
      %dma_wait3A_127 = tpu.memref_squeeze %dma_wait3A : memref<1x640xf32, #tpu.memory_space<hbm>> -> memref<640xf32, #tpu.memory_space<hbm>>
      %dma_wait3A_128 = tpu.memref_slice %arg6[%mul3A_122] : memref<10240xf32, #tpu.memory_space<vmem_shared>> -> memref<640xf32, #tpu.memory_space<vmem_shared>>
      tpu.wait_dma2 semaphore(%run_scoped3A : memref<!tpu.dma_semaphore, #tpu.memory_space<semaphore_mem>>) src(%dma_wait3A_128 : memref<640xf32, #tpu.memory_space<vmem_shared>>) dst(%dma_wait3A_127 : memref<640xf32, #tpu.memory_space<hbm>>)
      tpu.yield
    }) : () -> ()
    return
  }
}

#map = affine_map<(d0, d1) -> (0, 0)>
#map1 = affine_map<(d0, d1) -> (0, 0, 0, 0)>
#map2 = affine_map<(d0, d1) -> (0, 0, 0)>
module attributes {stable_mosaic.version = 14 : i64} {
  func.func @_sc_aggregate(%arg0: i32, %arg1: i32, %arg2: memref<10000x128xf32, #tpu.memory_space<hbm>>, %arg3: memref<32x4x25x100xi32, #tpu.memory_space<hbm>>, %arg4: memref<32x4x25x100xi32, #tpu.memory_space<hbm>>, %arg5: memref<2x10112x128xf32, #tpu.memory_space<hbm>>, %arg6: memref<25x100xi32, #tpu.memory_space<vmem>>, %arg7: memref<25x100xi32, #tpu.memory_space<vmem>>, %arg8: memref<3x100x128xf32, #tpu.memory_space<vmem>>, %arg9: memref<10112x128xf32, #tpu.memory_space<vmem_shared>>, %arg10: memref<3x!tpu.dma_semaphore, #tpu.memory_space<semaphore_mem>>) attributes {dimension_semantics = [#tpu.dimension_semantics<core_parallel>, #tpu.dimension_semantics<subcore_parallel>], iteration_bounds = array<i64: 2, 16>, scalar_prefetch = 0 : i64, scratch_operands = 5 : i64, tpu.core_type = #tpu.core_type<sc_vector_subcore>, window_params = [{transform_indices = #map}, {transform_indices = #map1}, {transform_indices = #map1}, {transform_indices = #map2}]} {
    %mul3A = arith.constant 16 : i32
    %mul3A_0 = arith.muli %arg0, %mul3A : i32
    %add3A = arith.addi %mul3A_0, %arg1 : i32
    %scan3A = arith.constant 0 : i32
    %scan3A_1 = arith.constant 0 : i32
    %scan3A_2 = arith.constant 100 : i32
    %scan3A_3 = arith.addi %scan3A_1, %scan3A_2 : i32
    %scan3A_4 = arith.constant 1 : i32
    scf.for %scan3A_51 = %scan3A_1 to %scan3A_3 step %scan3A_4  : i32 {
      %broadcast_in_dim3A = arith.constant 0.000000e+00 : f32
      %broadcast_in_dim3A_52 = vector.broadcast %broadcast_in_dim3A : f32 to vector<16xf32>
      %swap3A = arith.constant 0 : i32
      %swap3A_53 = arith.index_cast %swap3A : i32 to index
      %swap3A_54 = arith.index_cast %scan3A_51 : i32 to index
      %swap3A_55 = arith.constant 0 : index
      %swap3A_56 = tpu.vector_load %arg8[%swap3A_53, %swap3A_54, %swap3A_55] {strides = array<i32>} : memref<3x100x128xf32, #tpu.memory_space<vmem>>, vector<1x1x16xf32>,
      %swap3A_57 = vector.shape_cast %swap3A_56 : vector<1x1x16xf32> to vector<16xf32>
      %swap3A_58 = vector.shape_cast %broadcast_in_dim3A_52 : vector<16xf32> to vector<1x1x16xf32>
      tpu.vector_store %arg8[%swap3A_53, %swap3A_54, %swap3A_55], %swap3A_58 {strides = array<i32>} : memref<3x100x128xf32, #tpu.memory_space<vmem>>, vector<1x1x16xf32>,
      %broadcast_in_dim3A_59 = arith.constant 0.000000e+00 : f32
      %broadcast_in_dim3A_60 = vector.broadcast %broadcast_in_dim3A_59 : f32 to vector<16xf32>
      %swap3A_61 = arith.constant 0 : i32
      %swap3A_62 = arith.index_cast %swap3A_61 : i32 to index
      %swap3A_63 = arith.index_cast %scan3A_51 : i32 to index
      %swap3A_64 = arith.constant 16 : index
      %swap3A_65 = tpu.vector_load %arg8[%swap3A_62, %swap3A_63, %swap3A_64] {strides = array<i32>} : memref<3x100x128xf32, #tpu.memory_space<vmem>>, vector<1x1x16xf32>,
      %swap3A_66 = vector.shape_cast %swap3A_65 : vector<1x1x16xf32> to vector<16xf32>
      %swap3A_67 = vector.shape_cast %broadcast_in_dim3A_60 : vector<16xf32> to vector<1x1x16xf32>
      tpu.vector_store %arg8[%swap3A_62, %swap3A_63, %swap3A_64], %swap3A_67 {strides = array<i32>} : memref<3x100x128xf32, #tpu.memory_space<vmem>>, vector<1x1x16xf32>,
      %broadcast_in_dim3A_68 = arith.constant 0.000000e+00 : f32
      %broadcast_in_dim3A_69 = vector.broadcast %broadcast_in_dim3A_68 : f32 to vector<16xf32>
      %swap3A_70 = arith.constant 0 : i32
      %swap3A_71 = arith.index_cast %swap3A_70 : i32 to index
      %swap3A_72 = arith.index_cast %scan3A_51 : i32 to index
      %swap3A_73 = arith.constant 32 : index
      %swap3A_74 = tpu.vector_load %arg8[%swap3A_71, %swap3A_72, %swap3A_73] {strides = array<i32>} : memref<3x100x128xf32, #tpu.memory_space<vmem>>, vector<1x1x16xf32>,
      %swap3A_75 = vector.shape_cast %swap3A_74 : vector<1x1x16xf32> to vector<16xf32>
      %swap3A_76 = vector.shape_cast %broadcast_in_dim3A_69 : vector<16xf32> to vector<1x1x16xf32>
      tpu.vector_store %arg8[%swap3A_71, %swap3A_72, %swap3A_73], %swap3A_76 {strides = array<i32>} : memref<3x100x128xf32, #tpu.memory_space<vmem>>, vector<1x1x16xf32>,
      %broadcast_in_dim3A_77 = arith.constant 0.000000e+00 : f32
      %broadcast_in_dim3A_78 = vector.broadcast %broadcast_in_dim3A_77 : f32 to vector<16xf32>
      %swap3A_79 = arith.constant 0 : i32
      %swap3A_80 = arith.index_cast %swap3A_79 : i32 to index
      %swap3A_81 = arith.index_cast %scan3A_51 : i32 to index
      %swap3A_82 = arith.constant 48 : index
      %swap3A_83 = tpu.vector_load %arg8[%swap3A_80, %swap3A_81, %swap3A_82] {strides = array<i32>} : memref<3x100x128xf32, #tpu.memory_space<vmem>>, vector<1x1x16xf32>,
      %swap3A_84 = vector.shape_cast %swap3A_83 : vector<1x1x16xf32> to vector<16xf32>
      %swap3A_85 = vector.shape_cast %broadcast_in_dim3A_78 : vector<16xf32> to vector<1x1x16xf32>
      tpu.vector_store %arg8[%swap3A_80, %swap3A_81, %swap3A_82], %swap3A_85 {strides = array<i32>} : memref<3x100x128xf32, #tpu.memory_space<vmem>>, vector<1x1x16xf32>,
      %broadcast_in_dim3A_86 = arith.constant 0.000000e+00 : f32
      %broadcast_in_dim3A_87 = vector.broadcast %broadcast_in_dim3A_86 : f32 to vector<16xf32>
      %swap3A_88 = arith.constant 0 : i32
      %swap3A_89 = arith.index_cast %swap3A_88 : i32 to index
      %swap3A_90 = arith.index_cast %scan3A_51 : i32 to index
      %swap3A_91 = arith.constant 64 : index
      %swap3A_92 = tpu.vector_load %arg8[%swap3A_89, %swap3A_90, %swap3A_91] {strides = array<i32>} : memref<3x100x128xf32, #tpu.memory_space<vmem>>, vector<1x1x16xf32>,
      %swap3A_93 = vector.shape_cast %swap3A_92 : vector<1x1x16xf32> to vector<16xf32>
      %swap3A_94 = vector.shape_cast %broadcast_in_dim3A_87 : vector<16xf32> to vector<1x1x16xf32>
      tpu.vector_store %arg8[%swap3A_89, %swap3A_90, %swap3A_91], %swap3A_94 {strides = array<i32>} : memref<3x100x128xf32, #tpu.memory_space<vmem>>, vector<1x1x16xf32>,
      %broadcast_in_dim3A_95 = arith.constant 0.000000e+00 : f32
      %broadcast_in_dim3A_96 = vector.broadcast %broadcast_in_dim3A_95 : f32 to vector<16xf32>
      %swap3A_97 = arith.constant 0 : i32
      %swap3A_98 = arith.index_cast %swap3A_97 : i32 to index
      %swap3A_99 = arith.index_cast %scan3A_51 : i32 to index
      %swap3A_100 = arith.constant 80 : index
      %swap3A_101 = tpu.vector_load %arg8[%swap3A_98, %swap3A_99, %swap3A_100] {strides = array<i32>} : memref<3x100x128xf32, #tpu.memory_space<vmem>>, vector<1x1x16xf32>,
      %swap3A_102 = vector.shape_cast %swap3A_101 : vector<1x1x16xf32> to vector<16xf32>
      %swap3A_103 = vector.shape_cast %broadcast_in_dim3A_96 : vector<16xf32> to vector<1x1x16xf32>
      tpu.vector_store %arg8[%swap3A_98, %swap3A_99, %swap3A_100], %swap3A_103 {strides = array<i32>} : memref<3x100x128xf32, #tpu.memory_space<vmem>>, vector<1x1x16xf32>,
      %broadcast_in_dim3A_104 = arith.constant 0.000000e+00 : f32
      %broadcast_in_dim3A_105 = vector.broadcast %broadcast_in_dim3A_104 : f32 to vector<16xf32>
      %swap3A_106 = arith.constant 0 : i32
      %swap3A_107 = arith.index_cast %swap3A_106 : i32 to index
      %swap3A_108 = arith.index_cast %scan3A_51 : i32 to index
      %swap3A_109 = arith.constant 96 : index
      %swap3A_110 = tpu.vector_load %arg8[%swap3A_107, %swap3A_108, %swap3A_109] {strides = array<i32>} : memref<3x100x128xf32, #tpu.memory_space<vmem>>, vector<1x1x16xf32>,
      %swap3A_111 = vector.shape_cast %swap3A_110 : vector<1x1x16xf32> to vector<16xf32>
      %swap3A_112 = vector.shape_cast %broadcast_in_dim3A_105 : vector<16xf32> to vector<1x1x16xf32>
      tpu.vector_store %arg8[%swap3A_107, %swap3A_108, %swap3A_109], %swap3A_112 {strides = array<i32>} : memref<3x100x128xf32, #tpu.memory_space<vmem>>, vector<1x1x16xf32>,
      %broadcast_in_dim3A_113 = arith.constant 0.000000e+00 : f32
      %broadcast_in_dim3A_114 = vector.broadcast %broadcast_in_dim3A_113 : f32 to vector<16xf32>
      %swap3A_115 = arith.constant 0 : i32
      %swap3A_116 = arith.index_cast %swap3A_115 : i32 to index
      %swap3A_117 = arith.index_cast %scan3A_51 : i32 to index
      %swap3A_118 = arith.constant 112 : index
      %swap3A_119 = tpu.vector_load %arg8[%swap3A_116, %swap3A_117, %swap3A_118] {strides = array<i32>} : memref<3x100x128xf32, #tpu.memory_space<vmem>>, vector<1x1x16xf32>,
      %swap3A_120 = vector.shape_cast %swap3A_119 : vector<1x1x16xf32> to vector<16xf32>
      %swap3A_121 = vector.shape_cast %broadcast_in_dim3A_114 : vector<16xf32> to vector<1x1x16xf32>
      tpu.vector_store %arg8[%swap3A_116, %swap3A_117, %swap3A_118], %swap3A_121 {strides = array<i32>} : memref<3x100x128xf32, #tpu.memory_space<vmem>>, vector<1x1x16xf32>,
    }
    %scan3A_5 = arith.constant 100 : i32
    %mul3A_6 = arith.constant 632 : i32
    %mul3A_7 = arith.muli %arg1, %mul3A_6 : i32
    %add3A_8 = arith.constant 0 : i32
    %add3A_9 = arith.addi %mul3A_7, %add3A_8 : i32
    %run_scoped3A = arith.constant 0 : i32
    "tpu.region"() ({
      %run_scoped3A_51 = tpu.sem_alloc : memref<!tpu.dma_semaphore, #tpu.memory_space<semaphore_mem>>
      %dma_start3A = arith.constant 0 : i32
      %dma_start3A_52 = arith.constant 0 : i32
      %dma_start3A_53 = tpu.memref_slice %arg8[%run_scoped3A, %dma_start3A, %dma_start3A_52] : memref<3x100x128xf32, #tpu.memory_space<vmem>> -> memref<1x96x128xf32, #tpu.memory_space<vmem>>
      %dma_start3A_54 = tpu.memref_squeeze %dma_start3A_53 : memref<1x96x128xf32, #tpu.memory_space<vmem>> -> memref<96x128xf32, #tpu.memory_space<vmem>>
      %dma_start3A_55 = arith.constant 0 : i32
      %dma_start3A_56 = tpu.memref_slice %arg9[%add3A_9, %dma_start3A_55] : memref<10112x128xf32, #tpu.memory_space<vmem_shared>> -> memref<96x128xf32, #tpu.memory_space<vmem_shared>>
      %dma_start3A_57 = arith.constant 0 : i32
      %dma_start3A_58 = tpu.memref_slice %arg9[%add3A_9, %dma_start3A_57] : memref<10112x128xf32, #tpu.memory_space<vmem_shared>> -> memref<96x128xf32, #tpu.memory_space<vmem_shared>>
      %dma_start3A_59 = arith.constant 0 : i32
      %dma_start3A_60 = arith.constant 0 : i32
      %dma_start3A_61 = tpu.memref_slice %arg8[%run_scoped3A, %dma_start3A_59, %dma_start3A_60] : memref<3x100x128xf32, #tpu.memory_space<vmem>> -> memref<1x96x128xf32, #tpu.memory_space<vmem>>
      %dma_start3A_62 = tpu.memref_squeeze %dma_start3A_61 : memref<1x96x128xf32, #tpu.memory_space<vmem>> -> memref<96x128xf32, #tpu.memory_space<vmem>>
      tpu.enqueue_dma source(%dma_start3A_62 : memref<96x128xf32, #tpu.memory_space<vmem>>) target(%dma_start3A_58 : memref<96x128xf32, #tpu.memory_space<vmem_shared>>) target_semaphore(%run_scoped3A_51 : memref<!tpu.dma_semaphore, #tpu.memory_space<semaphore_mem>>)
      %dma_wait3A = arith.constant 0 : i32
      %dma_wait3A_63 = arith.constant 0 : i32
      %dma_wait3A_64 = tpu.memref_slice %arg8[%run_scoped3A, %dma_wait3A, %dma_wait3A_63] : memref<3x100x128xf32, #tpu.memory_space<vmem>> -> memref<1x96x128xf32, #tpu.memory_space<vmem>>
      %dma_wait3A_65 = tpu.memref_squeeze %dma_wait3A_64 : memref<1x96x128xf32, #tpu.memory_space<vmem>> -> memref<96x128xf32, #tpu.memory_space<vmem>>
      %dma_wait3A_66 = arith.constant 0 : i32
      %dma_wait3A_67 = tpu.memref_slice %arg9[%add3A_9, %dma_wait3A_66] : memref<10112x128xf32, #tpu.memory_space<vmem_shared>> -> memref<96x128xf32, #tpu.memory_space<vmem_shared>>
      %dma_wait3A_68 = arith.constant 0 : i32
      %dma_wait3A_69 = tpu.memref_slice %arg9[%add3A_9, %dma_wait3A_68] : memref<10112x128xf32, #tpu.memory_space<vmem_shared>> -> memref<96x128xf32, #tpu.memory_space<vmem_shared>>
      %dma_wait3A_70 = arith.constant 0 : i32
      %dma_wait3A_71 = arith.constant 0 : i32
      %dma_wait3A_72 = tpu.memref_slice %arg8[%run_scoped3A, %dma_wait3A_70, %dma_wait3A_71] : memref<3x100x128xf32, #tpu.memory_space<vmem>> -> memref<1x96x128xf32, #tpu.memory_space<vmem>>
      %dma_wait3A_73 = tpu.memref_squeeze %dma_wait3A_72 : memref<1x96x128xf32, #tpu.memory_space<vmem>> -> memref<96x128xf32, #tpu.memory_space<vmem>>
      tpu.wait_dma2 semaphore(%run_scoped3A_51 : memref<!tpu.dma_semaphore, #tpu.memory_space<semaphore_mem>>) src(%dma_wait3A_73 : memref<96x128xf32, #tpu.memory_space<vmem>>) dst(%dma_wait3A_69 : memref<96x128xf32, #tpu.memory_space<vmem_shared>>)
      tpu.yield
    }) : () -> ()
    %mul3A_10 = arith.constant 632 : i32
    %mul3A_11 = arith.muli %arg1, %mul3A_10 : i32
    %add3A_12 = arith.constant 96 : i32
    %add3A_13 = arith.addi %mul3A_11, %add3A_12 : i32
    %run_scoped3A_14 = arith.constant 0 : i32
    "tpu.region"() ({
      %run_scoped3A_51 = tpu.sem_alloc : memref<!tpu.dma_semaphore, #tpu.memory_space<semaphore_mem>>
      %dma_start3A = arith.constant 0 : i32
      %dma_start3A_52 = arith.constant 0 : i32
      %dma_start3A_53 = tpu.memref_slice %arg8[%run_scoped3A_14, %dma_start3A, %dma_start3A_52] : memref<3x100x128xf32, #tpu.memory_space<vmem>> -> memref<1x96x128xf32, #tpu.memory_space<vmem>>
      %dma_start3A_54 = tpu.memref_squeeze %dma_start3A_53 : memref<1x96x128xf32, #tpu.memory_space<vmem>> -> memref<96x128xf32, #tpu.memory_space<vmem>>
      %dma_start3A_55 = arith.constant 0 : i32
      %dma_start3A_56 = tpu.memref_slice %arg9[%add3A_13, %dma_start3A_55] : memref<10112x128xf32, #tpu.memory_space<vmem_shared>> -> memref<96x128xf32, #tpu.memory_space<vmem_shared>>
      %dma_start3A_57 = arith.constant 0 : i32
      %dma_start3A_58 = tpu.memref_slice %arg9[%add3A_13, %dma_start3A_57] : memref<10112x128xf32, #tpu.memory_space<vmem_shared>> -> memref<96x128xf32, #tpu.memory_space<vmem_shared>>
      %dma_start3A_59 = arith.constant 0 : i32
      %dma_start3A_60 = arith.constant 0 : i32
      %dma_start3A_61 = tpu.memref_slice %arg8[%run_scoped3A_14, %dma_start3A_59, %dma_start3A_60] : memref<3x100x128xf32, #tpu.memory_space<vmem>> -> memref<1x96x128xf32, #tpu.memory_space<vmem>>
      %dma_start3A_62 = tpu.memref_squeeze %dma_start3A_61 : memref<1x96x128xf32, #tpu.memory_space<vmem>> -> memref<96x128xf32, #tpu.memory_space<vmem>>
      tpu.enqueue_dma source(%dma_start3A_62 : memref<96x128xf32, #tpu.memory_space<vmem>>) target(%dma_start3A_58 : memref<96x128xf32, #tpu.memory_space<vmem_shared>>) target_semaphore(%run_scoped3A_51 : memref<!tpu.dma_semaphore, #tpu.memory_space<semaphore_mem>>)
      %dma_wait3A = arith.constant 0 : i32
      %dma_wait3A_63 = arith.constant 0 : i32
      %dma_wait3A_64 = tpu.memref_slice %arg8[%run_scoped3A_14, %dma_wait3A, %dma_wait3A_63] : memref<3x100x128xf32, #tpu.memory_space<vmem>> -> memref<1x96x128xf32, #tpu.memory_space<vmem>>
      %dma_wait3A_65 = tpu.memref_squeeze %dma_wait3A_64 : memref<1x96x128xf32, #tpu.memory_space<vmem>> -> memref<96x128xf32, #tpu.memory_space<vmem>>
      %dma_wait3A_66 = arith.constant 0 : i32
      %dma_wait3A_67 = tpu.memref_slice %arg9[%add3A_13, %dma_wait3A_66] : memref<10112x128xf32, #tpu.memory_space<vmem_shared>> -> memref<96x128xf32, #tpu.memory_space<vmem_shared>>
      %dma_wait3A_68 = arith.constant 0 : i32
      %dma_wait3A_69 = tpu.memref_slice %arg9[%add3A_13, %dma_wait3A_68] : memref<10112x128xf32, #tpu.memory_space<vmem_shared>> -> memref<96x128xf32, #tpu.memory_space<vmem_shared>>
      %dma_wait3A_70 = arith.constant 0 : i32
      %dma_wait3A_71 = arith.constant 0 : i32
      %dma_wait3A_72 = tpu.memref_slice %arg8[%run_scoped3A_14, %dma_wait3A_70, %dma_wait3A_71] : memref<3x100x128xf32, #tpu.memory_space<vmem>> -> memref<1x96x128xf32, #tpu.memory_space<vmem>>
      %dma_wait3A_73 = tpu.memref_squeeze %dma_wait3A_72 : memref<1x96x128xf32, #tpu.memory_space<vmem>> -> memref<96x128xf32, #tpu.memory_space<vmem>>
      tpu.wait_dma2 semaphore(%run_scoped3A_51 : memref<!tpu.dma_semaphore, #tpu.memory_space<semaphore_mem>>) src(%dma_wait3A_73 : memref<96x128xf32, #tpu.memory_space<vmem>>) dst(%dma_wait3A_69 : memref<96x128xf32, #tpu.memory_space<vmem_shared>>)
      tpu.yield
    }) : () -> ()
    %mul3A_15 = arith.constant 632 : i32
    %mul3A_16 = arith.muli %arg1, %mul3A_15 : i32
    %add3A_17 = arith.constant 192 : i32
    %add3A_18 = arith.addi %mul3A_16, %add3A_17 : i32
    %run_scoped3A_19 = arith.constant 0 : i32
    "tpu.region"() ({
      %run_scoped3A_51 = tpu.sem_alloc : memref<!tpu.dma_semaphore, #tpu.memory_space<semaphore_mem>>
      %dma_start3A = arith.constant 0 : i32
      %dma_start3A_52 = arith.constant 0 : i32
      %dma_start3A_53 = tpu.memref_slice %arg8[%run_scoped3A_19, %dma_start3A, %dma_start3A_52] : memref<3x100x128xf32, #tpu.memory_space<vmem>> -> memref<1x96x128xf32, #tpu.memory_space<vmem>>
      %dma_start3A_54 = tpu.memref_squeeze %dma_start3A_53 : memref<1x96x128xf32, #tpu.memory_space<vmem>> -> memref<96x128xf32, #tpu.memory_space<vmem>>
      %dma_start3A_55 = arith.constant 0 : i32
      %dma_start3A_56 = tpu.memref_slice %arg9[%add3A_18, %dma_start3A_55] : memref<10112x128xf32, #tpu.memory_space<vmem_shared>> -> memref<96x128xf32, #tpu.memory_space<vmem_shared>>
      %dma_start3A_57 = arith.constant 0 : i32
      %dma_start3A_58 = tpu.memref_slice %arg9[%add3A_18, %dma_start3A_57] : memref<10112x128xf32, #tpu.memory_space<vmem_shared>> -> memref<96x128xf32, #tpu.memory_space<vmem_shared>>
      %dma_start3A_59 = arith.constant 0 : i32
      %dma_start3A_60 = arith.constant 0 : i32
      %dma_start3A_61 = tpu.memref_slice %arg8[%run_scoped3A_19, %dma_start3A_59, %dma_start3A_60] : memref<3x100x128xf32, #tpu.memory_space<vmem>> -> memref<1x96x128xf32, #tpu.memory_space<vmem>>
      %dma_start3A_62 = tpu.memref_squeeze %dma_start3A_61 : memref<1x96x128xf32, #tpu.memory_space<vmem>> -> memref<96x128xf32, #tpu.memory_space<vmem>>
      tpu.enqueue_dma source(%dma_start3A_62 : memref<96x128xf32, #tpu.memory_space<vmem>>) target(%dma_start3A_58 : memref<96x128xf32, #tpu.memory_space<vmem_shared>>) target_semaphore(%run_scoped3A_51 : memref<!tpu.dma_semaphore, #tpu.memory_space<semaphore_mem>>)
      %dma_wait3A = arith.constant 0 : i32
      %dma_wait3A_63 = arith.constant 0 : i32
      %dma_wait3A_64 = tpu.memref_slice %arg8[%run_scoped3A_19, %dma_wait3A, %dma_wait3A_63] : memref<3x100x128xf32, #tpu.memory_space<vmem>> -> memref<1x96x128xf32, #tpu.memory_space<vmem>>
      %dma_wait3A_65 = tpu.memref_squeeze %dma_wait3A_64 : memref<1x96x128xf32, #tpu.memory_space<vmem>> -> memref<96x128xf32, #tpu.memory_space<vmem>>
      %dma_wait3A_66 = arith.constant 0 : i32
      %dma_wait3A_67 = tpu.memref_slice %arg9[%add3A_18, %dma_wait3A_66] : memref<10112x128xf32, #tpu.memory_space<vmem_shared>> -> memref<96x128xf32, #tpu.memory_space<vmem_shared>>
      %dma_wait3A_68 = arith.constant 0 : i32
      %dma_wait3A_69 = tpu.memref_slice %arg9[%add3A_18, %dma_wait3A_68] : memref<10112x128xf32, #tpu.memory_space<vmem_shared>> -> memref<96x128xf32, #tpu.memory_space<vmem_shared>>
      %dma_wait3A_70 = arith.constant 0 : i32
      %dma_wait3A_71 = arith.constant 0 : i32
      %dma_wait3A_72 = tpu.memref_slice %arg8[%run_scoped3A_19, %dma_wait3A_70, %dma_wait3A_71] : memref<3x100x128xf32, #tpu.memory_space<vmem>> -> memref<1x96x128xf32, #tpu.memory_space<vmem>>
      %dma_wait3A_73 = tpu.memref_squeeze %dma_wait3A_72 : memref<1x96x128xf32, #tpu.memory_space<vmem>> -> memref<96x128xf32, #tpu.memory_space<vmem>>
      tpu.wait_dma2 semaphore(%run_scoped3A_51 : memref<!tpu.dma_semaphore, #tpu.memory_space<semaphore_mem>>) src(%dma_wait3A_73 : memref<96x128xf32, #tpu.memory_space<vmem>>) dst(%dma_wait3A_69 : memref<96x128xf32, #tpu.memory_space<vmem_shared>>)
      tpu.yield
    }) : () -> ()
    %mul3A_20 = arith.constant 632 : i32
    %mul3A_21 = arith.muli %arg1, %mul3A_20 : i32
    %add3A_22 = arith.constant 288 : i32
    %add3A_23 = arith.addi %mul3A_21, %add3A_22 : i32
    %run_scoped3A_24 = arith.constant 0 : i32
    "tpu.region"() ({
      %run_scoped3A_51 = tpu.sem_alloc : memref<!tpu.dma_semaphore, #tpu.memory_space<semaphore_mem>>
      %dma_start3A = arith.constant 0 : i32
      %dma_start3A_52 = arith.constant 0 : i32
      %dma_start3A_53 = tpu.memref_slice %arg8[%run_scoped3A_24, %dma_start3A, %dma_start3A_52] : memref<3x100x128xf32, #tpu.memory_space<vmem>> -> memref<1x96x128xf32, #tpu.memory_space<vmem>>
      %dma_start3A_54 = tpu.memref_squeeze %dma_start3A_53 : memref<1x96x128xf32, #tpu.memory_space<vmem>> -> memref<96x128xf32, #tpu.memory_space<vmem>>
      %dma_start3A_55 = arith.constant 0 : i32
      %dma_start3A_56 = tpu.memref_slice %arg9[%add3A_23, %dma_start3A_55] : memref<10112x128xf32, #tpu.memory_space<vmem_shared>> -> memref<96x128xf32, #tpu.memory_space<vmem_shared>>
      %dma_start3A_57 = arith.constant 0 : i32
      %dma_start3A_58 = tpu.memref_slice %arg9[%add3A_23, %dma_start3A_57] : memref<10112x128xf32, #tpu.memory_space<vmem_shared>> -> memref<96x128xf32, #tpu.memory_space<vmem_shared>>
      %dma_start3A_59 = arith.constant 0 : i32
      %dma_start3A_60 = arith.constant 0 : i32
      %dma_start3A_61 = tpu.memref_slice %arg8[%run_scoped3A_24, %dma_start3A_59, %dma_start3A_60] : memref<3x100x128xf32, #tpu.memory_space<vmem>> -> memref<1x96x128xf32, #tpu.memory_space<vmem>>
      %dma_start3A_62 = tpu.memref_squeeze %dma_start3A_61 : memref<1x96x128xf32, #tpu.memory_space<vmem>> -> memref<96x128xf32, #tpu.memory_space<vmem>>
      tpu.enqueue_dma source(%dma_start3A_62 : memref<96x128xf32, #tpu.memory_space<vmem>>) target(%dma_start3A_58 : memref<96x128xf32, #tpu.memory_space<vmem_shared>>) target_semaphore(%run_scoped3A_51 : memref<!tpu.dma_semaphore, #tpu.memory_space<semaphore_mem>>)
      %dma_wait3A = arith.constant 0 : i32
      %dma_wait3A_63 = arith.constant 0 : i32
      %dma_wait3A_64 = tpu.memref_slice %arg8[%run_scoped3A_24, %dma_wait3A, %dma_wait3A_63] : memref<3x100x128xf32, #tpu.memory_space<vmem>> -> memref<1x96x128xf32, #tpu.memory_space<vmem>>
      %dma_wait3A_65 = tpu.memref_squeeze %dma_wait3A_64 : memref<1x96x128xf32, #tpu.memory_space<vmem>> -> memref<96x128xf32, #tpu.memory_space<vmem>>
      %dma_wait3A_66 = arith.constant 0 : i32
      %dma_wait3A_67 = tpu.memref_slice %arg9[%add3A_23, %dma_wait3A_66] : memref<10112x128xf32, #tpu.memory_space<vmem_shared>> -> memref<96x128xf32, #tpu.memory_space<vmem_shared>>
      %dma_wait3A_68 = arith.constant 0 : i32
      %dma_wait3A_69 = tpu.memref_slice %arg9[%add3A_23, %dma_wait3A_68] : memref<10112x128xf32, #tpu.memory_space<vmem_shared>> -> memref<96x128xf32, #tpu.memory_space<vmem_shared>>
      %dma_wait3A_70 = arith.constant 0 : i32
      %dma_wait3A_71 = arith.constant 0 : i32
      %dma_wait3A_72 = tpu.memref_slice %arg8[%run_scoped3A_24, %dma_wait3A_70, %dma_wait3A_71] : memref<3x100x128xf32, #tpu.memory_space<vmem>> -> memref<1x96x128xf32, #tpu.memory_space<vmem>>
      %dma_wait3A_73 = tpu.memref_squeeze %dma_wait3A_72 : memref<1x96x128xf32, #tpu.memory_space<vmem>> -> memref<96x128xf32, #tpu.memory_space<vmem>>
      tpu.wait_dma2 semaphore(%run_scoped3A_51 : memref<!tpu.dma_semaphore, #tpu.memory_space<semaphore_mem>>) src(%dma_wait3A_73 : memref<96x128xf32, #tpu.memory_space<vmem>>) dst(%dma_wait3A_69 : memref<96x128xf32, #tpu.memory_space<vmem_shared>>)
      tpu.yield
    }) : () -> ()
    %mul3A_25 = arith.constant 632 : i32
    %mul3A_26 = arith.muli %arg1, %mul3A_25 : i32
    %add3A_27 = arith.constant 384 : i32
    %add3A_28 = arith.addi %mul3A_26, %add3A_27 : i32
    %run_scoped3A_29 = arith.constant 0 : i32
    "tpu.region"() ({
      %run_scoped3A_51 = tpu.sem_alloc : memref<!tpu.dma_semaphore, #tpu.memory_space<semaphore_mem>>
      %dma_start3A = arith.constant 0 : i32
      %dma_start3A_52 = arith.constant 0 : i32
      %dma_start3A_53 = tpu.memref_slice %arg8[%run_scoped3A_29, %dma_start3A, %dma_start3A_52] : memref<3x100x128xf32, #tpu.memory_space<vmem>> -> memref<1x96x128xf32, #tpu.memory_space<vmem>>
      %dma_start3A_54 = tpu.memref_squeeze %dma_start3A_53 : memref<1x96x128xf32, #tpu.memory_space<vmem>> -> memref<96x128xf32, #tpu.memory_space<vmem>>
      %dma_start3A_55 = arith.constant 0 : i32
      %dma_start3A_56 = tpu.memref_slice %arg9[%add3A_28, %dma_start3A_55] : memref<10112x128xf32, #tpu.memory_space<vmem_shared>> -> memref<96x128xf32, #tpu.memory_space<vmem_shared>>
      %dma_start3A_57 = arith.constant 0 : i32
      %dma_start3A_58 = tpu.memref_slice %arg9[%add3A_28, %dma_start3A_57] : memref<10112x128xf32, #tpu.memory_space<vmem_shared>> -> memref<96x128xf32, #tpu.memory_space<vmem_shared>>
      %dma_start3A_59 = arith.constant 0 : i32
      %dma_start3A_60 = arith.constant 0 : i32
      %dma_start3A_61 = tpu.memref_slice %arg8[%run_scoped3A_29, %dma_start3A_59, %dma_start3A_60] : memref<3x100x128xf32, #tpu.memory_space<vmem>> -> memref<1x96x128xf32, #tpu.memory_space<vmem>>
      %dma_start3A_62 = tpu.memref_squeeze %dma_start3A_61 : memref<1x96x128xf32, #tpu.memory_space<vmem>> -> memref<96x128xf32, #tpu.memory_space<vmem>>
      tpu.enqueue_dma source(%dma_start3A_62 : memref<96x128xf32, #tpu.memory_space<vmem>>) target(%dma_start3A_58 : memref<96x128xf32, #tpu.memory_space<vmem_shared>>) target_semaphore(%run_scoped3A_51 : memref<!tpu.dma_semaphore, #tpu.memory_space<semaphore_mem>>)
      %dma_wait3A = arith.constant 0 : i32
      %dma_wait3A_63 = arith.constant 0 : i32
      %dma_wait3A_64 = tpu.memref_slice %arg8[%run_scoped3A_29, %dma_wait3A, %dma_wait3A_63] : memref<3x100x128xf32, #tpu.memory_space<vmem>> -> memref<1x96x128xf32, #tpu.memory_space<vmem>>
      %dma_wait3A_65 = tpu.memref_squeeze %dma_wait3A_64 : memref<1x96x128xf32, #tpu.memory_space<vmem>> -> memref<96x128xf32, #tpu.memory_space<vmem>>
      %dma_wait3A_66 = arith.constant 0 : i32
      %dma_wait3A_67 = tpu.memref_slice %arg9[%add3A_28, %dma_wait3A_66] : memref<10112x128xf32, #tpu.memory_space<vmem_shared>> -> memref<96x128xf32, #tpu.memory_space<vmem_shared>>
      %dma_wait3A_68 = arith.constant 0 : i32
      %dma_wait3A_69 = tpu.memref_slice %arg9[%add3A_28, %dma_wait3A_68] : memref<10112x128xf32, #tpu.memory_space<vmem_shared>> -> memref<96x128xf32, #tpu.memory_space<vmem_shared>>
      %dma_wait3A_70 = arith.constant 0 : i32
      %dma_wait3A_71 = arith.constant 0 : i32
      %dma_wait3A_72 = tpu.memref_slice %arg8[%run_scoped3A_29, %dma_wait3A_70, %dma_wait3A_71] : memref<3x100x128xf32, #tpu.memory_space<vmem>> -> memref<1x96x128xf32, #tpu.memory_space<vmem>>
      %dma_wait3A_73 = tpu.memref_squeeze %dma_wait3A_72 : memref<1x96x128xf32, #tpu.memory_space<vmem>> -> memref<96x128xf32, #tpu.memory_space<vmem>>
      tpu.wait_dma2 semaphore(%run_scoped3A_51 : memref<!tpu.dma_semaphore, #tpu.memory_space<semaphore_mem>>) src(%dma_wait3A_73 : memref<96x128xf32, #tpu.memory_space<vmem>>) dst(%dma_wait3A_69 : memref<96x128xf32, #tpu.memory_space<vmem_shared>>)
      tpu.yield
    }) : () -> ()
    %mul3A_30 = arith.constant 632 : i32
    %mul3A_31 = arith.muli %arg1, %mul3A_30 : i32
    %add3A_32 = arith.constant 480 : i32
    %add3A_33 = arith.addi %mul3A_31, %add3A_32 : i32
    %run_scoped3A_34 = arith.constant 0 : i32
    "tpu.region"() ({
      %run_scoped3A_51 = tpu.sem_alloc : memref<!tpu.dma_semaphore, #tpu.memory_space<semaphore_mem>>
      %dma_start3A = arith.constant 0 : i32
      %dma_start3A_52 = arith.constant 0 : i32
      %dma_start3A_53 = tpu.memref_slice %arg8[%run_scoped3A_34, %dma_start3A, %dma_start3A_52] : memref<3x100x128xf32, #tpu.memory_space<vmem>> -> memref<1x96x128xf32, #tpu.memory_space<vmem>>
      %dma_start3A_54 = tpu.memref_squeeze %dma_start3A_53 : memref<1x96x128xf32, #tpu.memory_space<vmem>> -> memref<96x128xf32, #tpu.memory_space<vmem>>
      %dma_start3A_55 = arith.constant 0 : i32
      %dma_start3A_56 = tpu.memref_slice %arg9[%add3A_33, %dma_start3A_55] : memref<10112x128xf32, #tpu.memory_space<vmem_shared>> -> memref<96x128xf32, #tpu.memory_space<vmem_shared>>
      %dma_start3A_57 = arith.constant 0 : i32
      %dma_start3A_58 = tpu.memref_slice %arg9[%add3A_33, %dma_start3A_57] : memref<10112x128xf32, #tpu.memory_space<vmem_shared>> -> memref<96x128xf32, #tpu.memory_space<vmem_shared>>
      %dma_start3A_59 = arith.constant 0 : i32
      %dma_start3A_60 = arith.constant 0 : i32
      %dma_start3A_61 = tpu.memref_slice %arg8[%run_scoped3A_34, %dma_start3A_59, %dma_start3A_60] : memref<3x100x128xf32, #tpu.memory_space<vmem>> -> memref<1x96x128xf32, #tpu.memory_space<vmem>>
      %dma_start3A_62 = tpu.memref_squeeze %dma_start3A_61 : memref<1x96x128xf32, #tpu.memory_space<vmem>> -> memref<96x128xf32, #tpu.memory_space<vmem>>
      tpu.enqueue_dma source(%dma_start3A_62 : memref<96x128xf32, #tpu.memory_space<vmem>>) target(%dma_start3A_58 : memref<96x128xf32, #tpu.memory_space<vmem_shared>>) target_semaphore(%run_scoped3A_51 : memref<!tpu.dma_semaphore, #tpu.memory_space<semaphore_mem>>)
      %dma_wait3A = arith.constant 0 : i32
      %dma_wait3A_63 = arith.constant 0 : i32
      %dma_wait3A_64 = tpu.memref_slice %arg8[%run_scoped3A_34, %dma_wait3A, %dma_wait3A_63] : memref<3x100x128xf32, #tpu.memory_space<vmem>> -> memref<1x96x128xf32, #tpu.memory_space<vmem>>
      %dma_wait3A_65 = tpu.memref_squeeze %dma_wait3A_64 : memref<1x96x128xf32, #tpu.memory_space<vmem>> -> memref<96x128xf32, #tpu.memory_space<vmem>>
      %dma_wait3A_66 = arith.constant 0 : i32
      %dma_wait3A_67 = tpu.memref_slice %arg9[%add3A_33, %dma_wait3A_66] : memref<10112x128xf32, #tpu.memory_space<vmem_shared>> -> memref<96x128xf32, #tpu.memory_space<vmem_shared>>
      %dma_wait3A_68 = arith.constant 0 : i32
      %dma_wait3A_69 = tpu.memref_slice %arg9[%add3A_33, %dma_wait3A_68] : memref<10112x128xf32, #tpu.memory_space<vmem_shared>> -> memref<96x128xf32, #tpu.memory_space<vmem_shared>>
      %dma_wait3A_70 = arith.constant 0 : i32
      %dma_wait3A_71 = arith.constant 0 : i32
      %dma_wait3A_72 = tpu.memref_slice %arg8[%run_scoped3A_34, %dma_wait3A_70, %dma_wait3A_71] : memref<3x100x128xf32, #tpu.memory_space<vmem>> -> memref<1x96x128xf32, #tpu.memory_space<vmem>>
      %dma_wait3A_73 = tpu.memref_squeeze %dma_wait3A_72 : memref<1x96x128xf32, #tpu.memory_space<vmem>> -> memref<96x128xf32, #tpu.memory_space<vmem>>
      tpu.wait_dma2 semaphore(%run_scoped3A_51 : memref<!tpu.dma_semaphore, #tpu.memory_space<semaphore_mem>>) src(%dma_wait3A_73 : memref<96x128xf32, #tpu.memory_space<vmem>>) dst(%dma_wait3A_69 : memref<96x128xf32, #tpu.memory_space<vmem_shared>>)
      tpu.yield
    }) : () -> ()
    %mul3A_35 = arith.constant 632 : i32
    %mul3A_36 = arith.muli %arg1, %mul3A_35 : i32
    %add3A_37 = arith.constant 576 : i32
    %add3A_38 = arith.addi %mul3A_36, %add3A_37 : i32
    %run_scoped3A_39 = arith.constant 0 : i32
    "tpu.region"() ({
      %run_scoped3A_51 = tpu.sem_alloc : memref<!tpu.dma_semaphore, #tpu.memory_space<semaphore_mem>>
      %dma_start3A = arith.constant 0 : i32
      %dma_start3A_52 = arith.constant 0 : i32
      %dma_start3A_53 = tpu.memref_slice %arg8[%run_scoped3A_39, %dma_start3A, %dma_start3A_52] : memref<3x100x128xf32, #tpu.memory_space<vmem>> -> memref<1x56x128xf32, #tpu.memory_space<vmem>>
      %dma_start3A_54 = tpu.memref_squeeze %dma_start3A_53 : memref<1x56x128xf32, #tpu.memory_space<vmem>> -> memref<56x128xf32, #tpu.memory_space<vmem>>
      %dma_start3A_55 = arith.constant 0 : i32
      %dma_start3A_56 = tpu.memref_slice %arg9[%add3A_38, %dma_start3A_55] : memref<10112x128xf32, #tpu.memory_space<vmem_shared>> -> memref<56x128xf32, #tpu.memory_space<vmem_shared>>
      %dma_start3A_57 = arith.constant 0 : i32
      %dma_start3A_58 = tpu.memref_slice %arg9[%add3A_38, %dma_start3A_57] : memref<10112x128xf32, #tpu.memory_space<vmem_shared>> -> memref<56x128xf32, #tpu.memory_space<vmem_shared>>
      %dma_start3A_59 = arith.constant 0 : i32
      %dma_start3A_60 = arith.constant 0 : i32
      %dma_start3A_61 = tpu.memref_slice %arg8[%run_scoped3A_39, %dma_start3A_59, %dma_start3A_60] : memref<3x100x128xf32, #tpu.memory_space<vmem>> -> memref<1x56x128xf32, #tpu.memory_space<vmem>>
      %dma_start3A_62 = tpu.memref_squeeze %dma_start3A_61 : memref<1x56x128xf32, #tpu.memory_space<vmem>> -> memref<56x128xf32, #tpu.memory_space<vmem>>
      tpu.enqueue_dma source(%dma_start3A_62 : memref<56x128xf32, #tpu.memory_space<vmem>>) target(%dma_start3A_58 : memref<56x128xf32, #tpu.memory_space<vmem_shared>>) target_semaphore(%run_scoped3A_51 : memref<!tpu.dma_semaphore, #tpu.memory_space<semaphore_mem>>)
      %dma_wait3A = arith.constant 0 : i32
      %dma_wait3A_63 = arith.constant 0 : i32
      %dma_wait3A_64 = tpu.memref_slice %arg8[%run_scoped3A_39, %dma_wait3A, %dma_wait3A_63] : memref<3x100x128xf32, #tpu.memory_space<vmem>> -> memref<1x56x128xf32, #tpu.memory_space<vmem>>
      %dma_wait3A_65 = tpu.memref_squeeze %dma_wait3A_64 : memref<1x56x128xf32, #tpu.memory_space<vmem>> -> memref<56x128xf32, #tpu.memory_space<vmem>>
      %dma_wait3A_66 = arith.constant 0 : i32
      %dma_wait3A_67 = tpu.memref_slice %arg9[%add3A_38, %dma_wait3A_66] : memref<10112x128xf32, #tpu.memory_space<vmem_shared>> -> memref<56x128xf32, #tpu.memory_space<vmem_shared>>
      %dma_wait3A_68 = arith.constant 0 : i32
      %dma_wait3A_69 = tpu.memref_slice %arg9[%add3A_38, %dma_wait3A_68] : memref<10112x128xf32, #tpu.memory_space<vmem_shared>> -> memref<56x128xf32, #tpu.memory_space<vmem_shared>>
      %dma_wait3A_70 = arith.constant 0 : i32
      %dma_wait3A_71 = arith.constant 0 : i32
      %dma_wait3A_72 = tpu.memref_slice %arg8[%run_scoped3A_39, %dma_wait3A_70, %dma_wait3A_71] : memref<3x100x128xf32, #tpu.memory_space<vmem>> -> memref<1x56x128xf32, #tpu.memory_space<vmem>>
      %dma_wait3A_73 = tpu.memref_squeeze %dma_wait3A_72 : memref<1x56x128xf32, #tpu.memory_space<vmem>> -> memref<56x128xf32, #tpu.memory_space<vmem>>
      tpu.wait_dma2 semaphore(%run_scoped3A_51 : memref<!tpu.dma_semaphore, #tpu.memory_space<semaphore_mem>>) src(%dma_wait3A_73 : memref<56x128xf32, #tpu.memory_space<vmem>>) dst(%dma_wait3A_69 : memref<56x128xf32, #tpu.memory_space<vmem_shared>>)
      tpu.yield
    }) : () -> ()
    %barrier3A = arith.constant 0 : index
    tpu.barrier barrier_id(%barrier3A)
    %scan3A_40 = arith.constant 0 : i32
    %scan3A_41 = arith.constant 0 : i32
    %scan3A_42 = arith.constant 4 : i32
    %scan3A_43 = arith.addi %scan3A_41, %scan3A_42 : i32
    %scan3A_44 = arith.constant 1 : i32
    scf.for %scan3A_51 = %scan3A_41 to %scan3A_43 step %scan3A_44  : i32 {
      "tpu.region"() ({
        %run_scoped3A_58 = tpu.sem_alloc : memref<!tpu.dma_semaphore, #tpu.memory_space<semaphore_mem>>
        %dma_start3A = arith.constant 0 : i32
        %dma_start3A_59 = arith.constant 0 : i32
        %dma_start3A_60 = tpu.memref_slice %arg3[%add3A, %scan3A_51, %dma_start3A, %dma_start3A_59] : memref<32x4x25x100xi32, #tpu.memory_space<hbm>> -> memref<1x1x25x100xi32, #tpu.memory_space<hbm>>
        %dma_start3A_61 = tpu.memref_squeeze %dma_start3A_60 : memref<1x1x25x100xi32, #tpu.memory_space<hbm>> -> memref<25x100xi32, #tpu.memory_space<hbm>>
        %dma_start3A_62 = arith.constant 0 : i32
        %dma_start3A_63 = arith.constant 0 : i32
        %dma_start3A_64 = tpu.memref_slice %arg3[%add3A, %scan3A_51, %dma_start3A_62, %dma_start3A_63] : memref<32x4x25x100xi32, #tpu.memory_space<hbm>> -> memref<1x1x25x100xi32, #tpu.memory_space<hbm>>
        %dma_start3A_65 = tpu.memref_squeeze %dma_start3A_64 : memref<1x1x25x100xi32, #tpu.memory_space<hbm>> -> memref<25x100xi32, #tpu.memory_space<hbm>>
        tpu.enqueue_dma source(%dma_start3A_65 : memref<25x100xi32, #tpu.memory_space<hbm>>) target(%arg6 : memref<25x100xi32, #tpu.memory_space<vmem>>) target_semaphore(%run_scoped3A_58 : memref<!tpu.dma_semaphore, #tpu.memory_space<semaphore_mem>>)
        %dma_wait3A = arith.constant 0 : i32
        %dma_wait3A_66 = arith.constant 0 : i32
        %dma_wait3A_67 = tpu.memref_slice %arg3[%add3A, %scan3A_51, %dma_wait3A, %dma_wait3A_66] : memref<32x4x25x100xi32, #tpu.memory_space<hbm>> -> memref<1x1x25x100xi32, #tpu.memory_space<hbm>>
        %dma_wait3A_68 = tpu.memref_squeeze %dma_wait3A_67 : memref<1x1x25x100xi32, #tpu.memory_space<hbm>> -> memref<25x100xi32, #tpu.memory_space<hbm>>
        %dma_wait3A_69 = arith.constant 0 : i32
        %dma_wait3A_70 = arith.constant 0 : i32
        %dma_wait3A_71 = tpu.memref_slice %arg3[%add3A, %scan3A_51, %dma_wait3A_69, %dma_wait3A_70] : memref<32x4x25x100xi32, #tpu.memory_space<hbm>> -> memref<1x1x25x100xi32, #tpu.memory_space<hbm>>
        %dma_wait3A_72 = tpu.memref_squeeze %dma_wait3A_71 : memref<1x1x25x100xi32, #tpu.memory_space<hbm>> -> memref<25x100xi32, #tpu.memory_space<hbm>>
        tpu.wait_dma2 semaphore(%run_scoped3A_58 : memref<!tpu.dma_semaphore, #tpu.memory_space<semaphore_mem>>) src(%dma_wait3A_72 : memref<25x100xi32, #tpu.memory_space<hbm>>) dst(%arg6 : memref<25x100xi32, #tpu.memory_space<vmem>>)
        tpu.yield
      }) : () -> ()
      "tpu.region"() ({
        %run_scoped3A_58 = tpu.sem_alloc : memref<!tpu.dma_semaphore, #tpu.memory_space<semaphore_mem>>
        %dma_start3A = arith.constant 0 : i32
        %dma_start3A_59 = arith.constant 0 : i32
        %dma_start3A_60 = tpu.memref_slice %arg4[%add3A, %scan3A_51, %dma_start3A, %dma_start3A_59] : memref<32x4x25x100xi32, #tpu.memory_space<hbm>> -> memref<1x1x25x100xi32, #tpu.memory_space<hbm>>
        %dma_start3A_61 = tpu.memref_squeeze %dma_start3A_60 : memref<1x1x25x100xi32, #tpu.memory_space<hbm>> -> memref<25x100xi32, #tpu.memory_space<hbm>>
        %dma_start3A_62 = arith.constant 0 : i32
        %dma_start3A_63 = arith.constant 0 : i32
        %dma_start3A_64 = tpu.memref_slice %arg4[%add3A, %scan3A_51, %dma_start3A_62, %dma_start3A_63] : memref<32x4x25x100xi32, #tpu.memory_space<hbm>> -> memref<1x1x25x100xi32, #tpu.memory_space<hbm>>
        %dma_start3A_65 = tpu.memref_squeeze %dma_start3A_64 : memref<1x1x25x100xi32, #tpu.memory_space<hbm>> -> memref<25x100xi32, #tpu.memory_space<hbm>>
        tpu.enqueue_dma source(%dma_start3A_65 : memref<25x100xi32, #tpu.memory_space<hbm>>) target(%arg7 : memref<25x100xi32, #tpu.memory_space<vmem>>) target_semaphore(%run_scoped3A_58 : memref<!tpu.dma_semaphore, #tpu.memory_space<semaphore_mem>>)
        %dma_wait3A = arith.constant 0 : i32
        %dma_wait3A_66 = arith.constant 0 : i32
        %dma_wait3A_67 = tpu.memref_slice %arg4[%add3A, %scan3A_51, %dma_wait3A, %dma_wait3A_66] : memref<32x4x25x100xi32, #tpu.memory_space<hbm>> -> memref<1x1x25x100xi32, #tpu.memory_space<hbm>>
        %dma_wait3A_68 = tpu.memref_squeeze %dma_wait3A_67 : memref<1x1x25x100xi32, #tpu.memory_space<hbm>> -> memref<25x100xi32, #tpu.memory_space<hbm>>
        %dma_wait3A_69 = arith.constant 0 : i32
        %dma_wait3A_70 = arith.constant 0 : i32
        %dma_wait3A_71 = tpu.memref_slice %arg4[%add3A, %scan3A_51, %dma_wait3A_69, %dma_wait3A_70] : memref<32x4x25x100xi32, #tpu.memory_space<hbm>> -> memref<1x1x25x100xi32, #tpu.memory_space<hbm>>
        %dma_wait3A_72 = tpu.memref_squeeze %dma_wait3A_71 : memref<1x1x25x100xi32, #tpu.memory_space<hbm>> -> memref<25x100xi32, #tpu.memory_space<hbm>>
        tpu.wait_dma2 semaphore(%run_scoped3A_58 : memref<!tpu.dma_semaphore, #tpu.memory_space<semaphore_mem>>) src(%dma_wait3A_72 : memref<25x100xi32, #tpu.memory_space<hbm>>) dst(%arg7 : memref<25x100xi32, #tpu.memory_space<vmem>>)
        tpu.yield
      }) : () -> ()
      %scan3A_52 = arith.constant 0 : i32
      %scan3A_53 = arith.constant 0 : i32
      %scan3A_54 = arith.constant 27 : i32
      %scan3A_55 = arith.addi %scan3A_53, %scan3A_54 : i32
      %scan3A_56 = arith.constant 1 : i32
      scf.for %scan3A_58 = %scan3A_53 to %scan3A_55 step %scan3A_56  : i32 {
        %lt3A = arith.constant 25 : i32
        %lt3A_59 = arith.cmpi slt, %scan3A_58, %lt3A : i32
        %convert_element_type3A = arith.extui %lt3A_59 : i1 to i32
        %cond3A = arith.constant 0 : i32
        %cond3A_60 = arith.cmpi ne, %convert_element_type3A, %cond3A : i32
        scf.if %cond3A_60 {
          %jit3A = arith.constant 3 : i32
          %eq3A = arith.constant 0 : i32
          %eq3A_65 = arith.cmpi eq, %jit3A, %eq3A : i32
          %jit3A_66 = arith.constant 1 : i32
          %select_n3A = arith.select %eq3A_65, %jit3A_66, %jit3A : i32
          %rem3A = arith.remsi %scan3A_58, %select_n3A : i32
          %ne3A = arith.constant 0 : i32
          %ne3A_67 = arith.cmpi ne, %rem3A, %ne3A : i32
          %lt3A_68 = arith.constant 0 : i32
          %lt3A_69 = arith.cmpi slt, %rem3A, %lt3A_68 : i32
          %lt3A_70 = arith.constant 0 : i32
          %lt3A_71 = arith.cmpi slt, %select_n3A, %lt3A_70 : i32
          %ne3A_72 = arith.xori %lt3A_69, %lt3A_71 : i1
          %and3A = arith.andi %ne3A_72, %ne3A_67 : i1
          %add3A_73 = arith.addi %rem3A, %select_n3A : i32
          %select_n3A_74 = arith.select %and3A, %add3A_73, %rem3A : i32
          %dma_start3A = arith.constant 0 : i32
          %dma_start3A_75 = arith.constant 0 : i32
          %dma_start3A_76 = tpu.memref_slice %arg8[%select_n3A_74, %dma_start3A, %dma_start3A_75] : memref<3x100x128xf32, #tpu.memory_space<vmem>> -> memref<1x100x128xf32, #tpu.memory_space<vmem>>
          %dma_start3A_77 = tpu.memref_squeeze %dma_start3A_76 : memref<1x100x128xf32, #tpu.memory_space<vmem>> -> memref<100x128xf32, #tpu.memory_space<vmem>>
          %dma_start3A_78 = arith.constant 0 : i32
          %dma_start3A_79 = tpu.memref_slice %arg6[%scan3A_58, %dma_start3A_78] : memref<25x100xi32, #tpu.memory_space<vmem>> -> memref<1x100xi32, #tpu.memory_space<vmem>>
          %dma_start3A_80 = tpu.memref_squeeze %dma_start3A_79 : memref<1x100xi32, #tpu.memory_space<vmem>> -> memref<100xi32, #tpu.memory_space<vmem>>
          %dma_start3A_81 = arith.constant 0 : i32
          %dma_start3A_82 = arith.constant 0 : i32
          %dma_start3A_83 = tpu.memref_slice %arg2[%dma_start3A_81, %dma_start3A_82] : memref<10000x128xf32, #tpu.memory_space<hbm>> -> memref<10000x128xf32, #tpu.memory_space<hbm>>
          %dma_start3A_84 = tpu.memref_slice %arg10[%select_n3A_74] : memref<3x!tpu.dma_semaphore, #tpu.memory_space<semaphore_mem>> -> memref<1x!tpu.dma_semaphore, #tpu.memory_space<semaphore_mem>>
          %dma_start3A_85 = tpu.memref_squeeze %dma_start3A_84 : memref<1x!tpu.dma_semaphore, #tpu.memory_space<semaphore_mem>> -> memref<!tpu.dma_semaphore, #tpu.memory_space<semaphore_mem>>
          tpu.enqueue_indirect_dma source(%dma_start3A_83 : memref<10000x128xf32, #tpu.memory_space<hbm>>) target(%dma_start3A_77 : memref<100x128xf32, #tpu.memory_space<vmem>>) offsets(%dma_start3A_80 : memref<100xi32, #tpu.memory_space<vmem>>) semaphore(%dma_start3A_85 : memref<!tpu.dma_semaphore, #tpu.memory_space<semaphore_mem>>)
        } else {
        }
        %gt3A = arith.constant 1 : i32
        %gt3A_61 = arith.cmpi sgt, %scan3A_58, %gt3A : i32
        %convert_element_type3A_62 = arith.extui %gt3A_61 : i1 to i32
        %cond3A_63 = arith.constant 0 : i32
        %cond3A_64 = arith.cmpi ne, %convert_element_type3A_62, %cond3A_63 : i32
        scf.if %cond3A_64 {
          %sub3A = arith.constant 2 : i32
          %sub3A_65 = arith.subi %scan3A_58, %sub3A : i32
          %jit3A = arith.constant 3 : i32
          %eq3A = arith.constant 0 : i32
          %eq3A_66 = arith.cmpi eq, %jit3A, %eq3A : i32
          %jit3A_67 = arith.constant 1 : i32
          %select_n3A = arith.select %eq3A_66, %jit3A_67, %jit3A : i32
          %rem3A = arith.remsi %sub3A_65, %select_n3A : i32
          %ne3A = arith.constant 0 : i32
          %ne3A_68 = arith.cmpi ne, %rem3A, %ne3A : i32
          %lt3A_69 = arith.constant 0 : i32
          %lt3A_70 = arith.cmpi slt, %rem3A, %lt3A_69 : i32
          %lt3A_71 = arith.constant 0 : i32
          %lt3A_72 = arith.cmpi slt, %select_n3A, %lt3A_71 : i32
          %ne3A_73 = arith.xori %lt3A_70, %lt3A_72 : i1
          %and3A = arith.andi %ne3A_73, %ne3A_68 : i1
          %add3A_74 = arith.addi %rem3A, %select_n3A : i32
          %select_n3A_75 = arith.select %and3A, %add3A_74, %rem3A : i32
          %dma_wait3A = arith.constant 0 : i32
          %dma_wait3A_76 = arith.constant 0 : i32
          %dma_wait3A_77 = arith.constant 0 : i32
          %dma_wait3A_78 = tpu.memref_slice %arg8[%select_n3A_75, %dma_wait3A_76, %dma_wait3A_77] : memref<3x100x128xf32, #tpu.memory_space<vmem>> -> memref<1x100x128xf32, #tpu.memory_space<vmem>>
          %dma_wait3A_79 = tpu.memref_squeeze %dma_wait3A_78 : memref<1x100x128xf32, #tpu.memory_space<vmem>> -> memref<100x128xf32, #tpu.memory_space<vmem>>
          %dma_wait3A_80 = arith.constant 0 : i32
          %dma_wait3A_81 = tpu.memref_slice %arg6[%dma_wait3A, %dma_wait3A_80] : memref<25x100xi32, #tpu.memory_space<vmem>> -> memref<1x100xi32, #tpu.memory_space<vmem>>
          %dma_wait3A_82 = tpu.memref_squeeze %dma_wait3A_81 : memref<1x100xi32, #tpu.memory_space<vmem>> -> memref<100xi32, #tpu.memory_space<vmem>>
          %dma_wait3A_83 = arith.constant 0 : i32
          %dma_wait3A_84 = arith.constant 0 : i32
          %dma_wait3A_85 = tpu.memref_slice %arg2[%dma_wait3A_83, %dma_wait3A_84] : memref<10000x128xf32, #tpu.memory_space<hbm>> -> memref<10000x128xf32, #tpu.memory_space<hbm>>
          %dma_wait3A_86 = tpu.memref_slice %arg10[%select_n3A_75] : memref<3x!tpu.dma_semaphore, #tpu.memory_space<semaphore_mem>> -> memref<1x!tpu.dma_semaphore, #tpu.memory_space<semaphore_mem>>
          %dma_wait3A_87 = tpu.memref_squeeze %dma_wait3A_86 : memref<1x!tpu.dma_semaphore, #tpu.memory_space<semaphore_mem>> -> memref<!tpu.dma_semaphore, #tpu.memory_space<semaphore_mem>>
          tpu.wait_indirect_dma semaphore(%dma_wait3A_87 : memref<!tpu.dma_semaphore, #tpu.memory_space<semaphore_mem>>) src(%dma_wait3A_85 : memref<10000x128xf32, #tpu.memory_space<hbm>>) dst(%dma_wait3A_79 : memref<100x128xf32, #tpu.memory_space<vmem>>)
          %sub3A_88 = arith.constant 2 : i32
          %sub3A_89 = arith.subi %scan3A_58, %sub3A_88 : i32
          "tpu.region"() ({
            %run_scoped3A_90 = tpu.sem_alloc : memref<!tpu.dma_semaphore, #tpu.memory_space<semaphore_mem>>
            %dma_start3A = arith.constant 0 : i32
            %dma_start3A_91 = arith.constant 0 : i32
            %dma_start3A_92 = tpu.memref_slice %arg8[%select_n3A_75, %dma_start3A, %dma_start3A_91] : memref<3x100x128xf32, #tpu.memory_space<vmem>> -> memref<1x100x128xf32, #tpu.memory_space<vmem>>
            %dma_start3A_93 = tpu.memref_squeeze %dma_start3A_92 : memref<1x100x128xf32, #tpu.memory_space<vmem>> -> memref<100x128xf32, #tpu.memory_space<vmem>>
            %dma_start3A_94 = arith.constant 0 : i32
            %dma_start3A_95 = tpu.memref_slice %arg7[%sub3A_89, %dma_start3A_94] : memref<25x100xi32, #tpu.memory_space<vmem>> -> memref<1x100xi32, #tpu.memory_space<vmem>>
            %dma_start3A_96 = tpu.memref_squeeze %dma_start3A_95 : memref<1x100xi32, #tpu.memory_space<vmem>> -> memref<100xi32, #tpu.memory_space<vmem>>
            %dma_start3A_97 = arith.constant 0 : i32
            %dma_start3A_98 = arith.constant 0 : i32
            %dma_start3A_99 = tpu.memref_slice %arg9[%dma_start3A_97, %dma_start3A_98] : memref<10112x128xf32, #tpu.memory_space<vmem_shared>> -> memref<10112x128xf32, #tpu.memory_space<vmem_shared>>
            tpu.enqueue_indirect_dma source(%dma_start3A_93 : memref<100x128xf32, #tpu.memory_space<vmem>>) target(%dma_start3A_99 : memref<10112x128xf32, #tpu.memory_space<vmem_shared>>) offsets(%dma_start3A_96 : memref<100xi32, #tpu.memory_space<vmem>>) semaphore(%run_scoped3A_90 : memref<!tpu.dma_semaphore, #tpu.memory_space<semaphore_mem>>) {add = true}
            %dma_wait3A_100 = arith.constant 0 : i32
            %dma_wait3A_101 = arith.constant 0 : i32
            %dma_wait3A_102 = tpu.memref_slice %arg8[%select_n3A_75, %dma_wait3A_100, %dma_wait3A_101] : memref<3x100x128xf32, #tpu.memory_space<vmem>> -> memref<1x100x128xf32, #tpu.memory_space<vmem>>
            %dma_wait3A_103 = tpu.memref_squeeze %dma_wait3A_102 : memref<1x100x128xf32, #tpu.memory_space<vmem>> -> memref<100x128xf32, #tpu.memory_space<vmem>>
            %dma_wait3A_104 = arith.constant 0 : i32
            %dma_wait3A_105 = tpu.memref_slice %arg7[%sub3A_89, %dma_wait3A_104] : memref<25x100xi32, #tpu.memory_space<vmem>> -> memref<1x100xi32, #tpu.memory_space<vmem>>
            %dma_wait3A_106 = tpu.memref_squeeze %dma_wait3A_105 : memref<1x100xi32, #tpu.memory_space<vmem>> -> memref<100xi32, #tpu.memory_space<vmem>>
            %dma_wait3A_107 = arith.constant 0 : i32
            %dma_wait3A_108 = arith.constant 0 : i32
            %dma_wait3A_109 = tpu.memref_slice %arg9[%dma_wait3A_107, %dma_wait3A_108] : memref<10112x128xf32, #tpu.memory_space<vmem_shared>> -> memref<10112x128xf32, #tpu.memory_space<vmem_shared>>
            tpu.wait_indirect_dma semaphore(%run_scoped3A_90 : memref<!tpu.dma_semaphore, #tpu.memory_space<semaphore_mem>>) src(%dma_wait3A_103 : memref<100x128xf32, #tpu.memory_space<vmem>>) dst(%dma_wait3A_109 : memref<10112x128xf32, #tpu.memory_space<vmem_shared>>)
            tpu.yield
          }) : () -> ()
        } else {
        }
      }
      %scan3A_57 = arith.constant 27 : i32
    }
    %scan3A_45 = arith.constant 4 : i32
    %barrier3A_46 = arith.constant 0 : index
    tpu.barrier barrier_id(%barrier3A_46)
    %mul3A_47 = arith.constant 632 : i32
    %mul3A_48 = arith.muli %arg1, %mul3A_47 : i32
    %mul3A_49 = arith.constant 632 : i32
    %mul3A_50 = arith.muli %arg1, %mul3A_49 : i32
    "tpu.region"() ({
      %run_scoped3A_51 = tpu.sem_alloc : memref<!tpu.dma_semaphore, #tpu.memory_space<semaphore_mem>>
      %dma_start3A = arith.constant 0 : i32
      %dma_start3A_52 = tpu.memref_slice %arg5[%arg0, %mul3A_50, %dma_start3A] : memref<2x10112x128xf32, #tpu.memory_space<hbm>> -> memref<1x632x128xf32, #tpu.memory_space<hbm>>
      %dma_start3A_53 = tpu.memref_squeeze %dma_start3A_52 : memref<1x632x128xf32, #tpu.memory_space<hbm>> -> memref<632x128xf32, #tpu.memory_space<hbm>>
      %dma_start3A_54 = arith.constant 0 : i32
      %dma_start3A_55 = tpu.memref_slice %arg9[%mul3A_48, %dma_start3A_54] : memref<10112x128xf32, #tpu.memory_space<vmem_shared>> -> memref<632x128xf32, #tpu.memory_space<vmem_shared>>
      tpu.enqueue_dma source(%dma_start3A_55 : memref<632x128xf32, #tpu.memory_space<vmem_shared>>) target(%dma_start3A_53 : memref<632x128xf32, #tpu.memory_space<hbm>>) target_semaphore(%run_scoped3A_51 : memref<!tpu.dma_semaphore, #tpu.memory_space<semaphore_mem>>)
      %dma_wait3A = arith.constant 0 : i32
      %dma_wait3A_56 = tpu.memref_slice %arg5[%arg0, %mul3A_50, %dma_wait3A] : memref<2x10112x128xf32, #tpu.memory_space<hbm>> -> memref<1x632x128xf32, #tpu.memory_space<hbm>>
      %dma_wait3A_57 = tpu.memref_squeeze %dma_wait3A_56 : memref<1x632x128xf32, #tpu.memory_space<hbm>> -> memref<632x128xf32, #tpu.memory_space<hbm>>
      %dma_wait3A_58 = arith.constant 0 : i32
      %dma_wait3A_59 = tpu.memref_slice %arg9[%mul3A_48, %dma_wait3A_58] : memref<10112x128xf32, #tpu.memory_space<vmem_shared>> -> memref<632x128xf32, #tpu.memory_space<vmem_shared>>
      tpu.wait_dma2 semaphore(%run_scoped3A_51 : memref<!tpu.dma_semaphore, #tpu.memory_space<semaphore_mem>>) src(%dma_wait3A_59 : memref<632x128xf32, #tpu.memory_space<vmem_shared>>) dst(%dma_wait3A_57 : memref<632x128xf32, #tpu.memory_space<hbm>>)
      tpu.yield
    }) : () -> ()
    return
  }
}

module attributes {stable_mosaic.version = 14 : i64} {
  func.func @_prep_body(%arg0: i32, %arg1: memref<1000x1xf32, #tpu.memory_space<vmem>>, %arg2: memref<1000x128xf32, #tpu.memory_space<vmem>>, %arg3: memref<1000x128xf32, #tpu.memory_space<vmem>>) attributes {dimension_semantics = [#tpu.dimension_semantics<arbitrary>], iteration_bounds = array<i64: 10>, scalar_prefetch = 0 : i64, scratch_operands = 0 : i64, tpu.core_type = #tpu.core_type<tc>, window_params = [{transform_indices = @transform_0, window_bounds = array<i64: 1000, 1>}, {transform_indices = @transform_1, window_bounds = array<i64: 1000, 128>}, {transform_indices = @transform_2, window_bounds = array<i64: 1000, 128>}]} {
    %get3A = arith.constant 0 : index
    %get3A_0 = arith.constant 0 : index
    %get3A_1 = vector.load %arg2[%get3A, %get3A_0] : memref<1000x128xf32, #tpu.memory_space<vmem>>, vector<1000x128xf32>
    %get3A_2 = arith.constant 0 : index
    %get3A_3 = arith.constant 0 : index
    %get3A_4 = vector.load %arg1[%get3A_2, %get3A_3] : memref<1000x1xf32, #tpu.memory_space<vmem>>, vector<1000x1xf32>
    %mul3A = vector.broadcast %get3A_4 : vector<1000x1xf32> to vector<1000x128xf32>
    %mul3A_5 = arith.mulf %get3A_1, %mul3A : vector<1000x128xf32>
    %swap3A = arith.constant 0 : index
    %swap3A_6 = arith.constant 0 : index
    %swap3A_7 = vector.load %arg3[%swap3A, %swap3A_6] : memref<1000x128xf32, #tpu.memory_space<vmem>>, vector<1000x128xf32>
    tpu.vector_store %arg3[%swap3A, %swap3A_6], %mul3A_5 {strides = array<i32>} : memref<1000x128xf32, #tpu.memory_space<vmem>>, vector<1000x128xf32>,
    return
  }
  func.func @transform_0(%arg0: i32) -> (i32, i32) {
    %c0_i32 = arith.constant 0 : i32
    %c0_i32_0 = arith.constant 0 : i32
    return %arg0, %c0_i32 : i32, i32
  }
  func.func @transform_1(%arg0: i32) -> (i32, i32) {
    %c0_i32 = arith.constant 0 : i32
    %c0_i32_0 = arith.constant 0 : i32
    return %arg0, %c0_i32 : i32, i32
  }
  func.func @transform_2(%arg0: i32) -> (i32, i32) {
    %c0_i32 = arith.constant 0 : i32
    %c0_i32_0 = arith.constant 0 : i32
    return %arg0, %c0_i32 : i32, i32
  }
}

module attributes {stable_mosaic.version = 14 : i64} {
  func.func @_combine_body(%arg0: i32, %arg1: memref<2x1000x128xf32, #tpu.memory_space<vmem>>, %arg2: memref<1000x1xf32, #tpu.memory_space<vmem>>, %arg3: memref<1000x1xf32, #tpu.memory_space<vmem>>, %arg4: memref<1000x128xf32, #tpu.memory_space<vmem>>, %arg5: memref<1000x128xf32, #tpu.memory_space<vmem>>, %arg6: memref<128x128xf32, #tpu.memory_space<vmem>>, %arg7: memref<1000x128xf32, #tpu.memory_space<vmem>>) attributes {dimension_semantics = [#tpu.dimension_semantics<arbitrary>], iteration_bounds = array<i64: 10>, scalar_prefetch = 0 : i64, scratch_operands = 0 : i64, tpu.core_type = #tpu.core_type<tc>, window_params = [{transform_indices = @transform_0, window_bounds = array<i64: 2, 1000, 128>}, {transform_indices = @transform_1, window_bounds = array<i64: 1000, 1>}, {transform_indices = @transform_2, window_bounds = array<i64: 1000, 1>}, {transform_indices = @transform_3, window_bounds = array<i64: 1000, 128>}, {transform_indices = @transform_4, window_bounds = array<i64: 1000, 128>}, {pipeline_mode = #tpu.pipeline_mode<synchronous>, transform_indices = @transform_5, window_bounds = array<i64: 128, 128>}, {transform_indices = @transform_6, window_bounds = array<i64: 1000, 128>}]} {
    %get3A = arith.constant 0 : index
    %get3A_0 = arith.constant 0 : index
    %get3A_1 = arith.constant 0 : index
    %get3A_2 = vector.load %arg1[%get3A, %get3A_0, %get3A_1] : memref<2x1000x128xf32, #tpu.memory_space<vmem>>, vector<1x1000x128xf32>
    %get3A_3 = vector.shape_cast %get3A_2 : vector<1x1000x128xf32> to vector<1000x128xf32>
    %get3A_4 = arith.constant 1 : index
    %get3A_5 = arith.constant 0 : index
    %get3A_6 = arith.constant 0 : index
    %get3A_7 = vector.load %arg1[%get3A_4, %get3A_5, %get3A_6] : memref<2x1000x128xf32, #tpu.memory_space<vmem>>, vector<1x1000x128xf32>
    %get3A_8 = vector.shape_cast %get3A_7 : vector<1x1000x128xf32> to vector<1000x128xf32>
    %add3A = arith.addf %get3A_3, %get3A_8 : vector<1000x128xf32>
    %get3A_9 = arith.constant 0 : index
    %get3A_10 = arith.constant 0 : index
    %get3A_11 = vector.load %arg2[%get3A_9, %get3A_10] : memref<1000x1xf32, #tpu.memory_space<vmem>>, vector<1000x1xf32>
    %mul3A = vector.broadcast %get3A_11 : vector<1000x1xf32> to vector<1000x128xf32>
    %mul3A_12 = arith.mulf %mul3A, %add3A : vector<1000x128xf32>
    %get3A_13 = arith.constant 0 : index
    %get3A_14 = arith.constant 0 : index
    %get3A_15 = vector.load %arg3[%get3A_13, %get3A_14] : memref<1000x1xf32, #tpu.memory_space<vmem>>, vector<1000x1xf32>
    %get3A_16 = arith.constant 0 : index
    %get3A_17 = arith.constant 0 : index
    %get3A_18 = vector.load %arg4[%get3A_16, %get3A_17] : memref<1000x128xf32, #tpu.memory_space<vmem>>, vector<1000x128xf32>
    %mul3A_19 = vector.broadcast %get3A_15 : vector<1000x1xf32> to vector<1000x128xf32>
    %mul3A_20 = arith.mulf %mul3A_19, %get3A_18 : vector<1000x128xf32>
    %add3A_21 = arith.addf %mul3A_12, %mul3A_20 : vector<1000x128xf32>
    %get3A_22 = arith.constant 0 : index
    %get3A_23 = arith.constant 0 : index
    %get3A_24 = vector.load %arg5[%get3A_22, %get3A_23] : memref<1000x128xf32, #tpu.memory_space<vmem>>, vector<1000x128xf32>
    %mul3A_25 = arith.constant 1.000000e-01 : f32
    %mul3A_26 = vector.broadcast %mul3A_25 : f32 to vector<1000x128xf32>
    %mul3A_27 = arith.mulf %mul3A_26, %get3A_24 : vector<1000x128xf32>
    %add3A_28 = arith.addf %add3A_21, %mul3A_27 : vector<1000x128xf32>
    %get3A_29 = arith.constant 0 : index
    %get3A_30 = arith.constant 0 : index
    %get3A_31 = vector.load %arg6[%get3A_29, %get3A_30] : memref<128x128xf32, #tpu.memory_space<vmem>>, vector<128x128xf32>
    %dot_general3A = arith.constant dense<0.000000e+00> : vector<1000x128xf32>
    %dot_general3A_32 = tpu.matmul %add3A_28, %get3A_31, %dot_general3A {dimension_numbers = #tpu.dot_dimension_numbers<[1], [0], [0], [1], [0, 0, 1, 1], [], []>, transpose_lhs_hint = false} : vector<1000x128xf32>, vector<128x128xf32>, vector<1000x128xf32> -> vector<1000x128xf32>
    %swap3A = arith.constant 0 : index
    %swap3A_33 = arith.constant 0 : index
    %swap3A_34 = vector.load %arg7[%swap3A, %swap3A_33] : memref<1000x128xf32, #tpu.memory_space<vmem>>, vector<1000x128xf32>
    tpu.vector_store %arg7[%swap3A, %swap3A_33], %dot_general3A_32 {strides = array<i32>} : memref<1000x128xf32, #tpu.memory_space<vmem>>, vector<1000x128xf32>,
    return
  }
  func.func @transform_0(%arg0: i32) -> (i32, i32, i32) {
    %c0_i32 = arith.constant 0 : i32
    %c0_i32_0 = arith.constant 0 : i32
    %c0_i32_1 = arith.constant 0 : i32
    return %c0_i32, %arg0, %c0_i32_0 : i32, i32, i32
  }
  func.func @transform_1(%arg0: i32) -> (i32, i32) {
    %c0_i32 = arith.constant 0 : i32
    %c0_i32_0 = arith.constant 0 : i32
    return %arg0, %c0_i32 : i32, i32
  }
  func.func @transform_2(%arg0: i32) -> (i32, i32) {
    %c0_i32 = arith.constant 0 : i32
    %c0_i32_0 = arith.constant 0 : i32
    return %arg0, %c0_i32 : i32, i32
  }
  func.func @transform_3(%arg0: i32) -> (i32, i32) {
    %c0_i32 = arith.constant 0 : i32
    %c0_i32_0 = arith.constant 0 : i32
    return %arg0, %c0_i32 : i32, i32
  }
  func.func @transform_4(%arg0: i32) -> (i32, i32) {
    %c0_i32 = arith.constant 0 : i32
    %c0_i32_0 = arith.constant 0 : i32
    return %arg0, %c0_i32 : i32, i32
  }
  func.func @transform_5(%arg0: i32) -> (i32, i32) {
    %c0_i32 = arith.constant 0 : i32
    %c0_i32_0 = arith.constant 0 : i32
    %c0_i32_1 = arith.constant 0 : i32
    return %c0_i32, %c0_i32_0 : i32, i32
  }
  func.func @transform_6(%arg0: i32) -> (i32, i32) {
    %c0_i32 = arith.constant 0 : i32
    %c0_i32_0 = arith.constant 0 : i32
    return %arg0, %c0_i32 : i32, i32
  }
}

</mosaic_0001>

<sc_bundles>
// kernel: kernel.6.cloned.1.call-start
scs
__scs_entry_jumppad:
0x0: {  	(pc) =	sbr.rel $0x88, $3  }
0x1: {  	(tag) =	ssettag $0x0;
	lr =	simm.s32 $0x1  }
0x2: {  	[smem:$0x3F9D] =	sst lr;
	_ =	strace $0xD0000000  }
0x3: {  	_ = 	snop  }
0x4: {  	_ = 	snop  }
0x5: {  	_ = 	snop  }
0x6: {  	_ = 	snop  }
0x7: {  	_ = 	snop  }
__scs_overlays_trampoline_lowered:
0x8: {  	[smem:$0x3FAC] =	sst s0  }
0x9: {  	[smem:$0x3FAD] =	sst s1  }
0xa: {  	[smem:$0x3FAE] =	sst s2  }
0xb: {  	[smem:$0x3FAF] =	sst s3  }
0xc: {  	[smem:$0x3FB0] =	sst s4  }
0xd: {  	[smem:$0x3FB1] =	sst s5  }
0xe: {  	[smem:$0x3FB2] =	sst s6  }
0xf: {  	[smem:$0x3FB3] =	sst s7  }
0x10: {  	[smem:$0x3FB4] =	sst s8  }
0x11: {  	[smem:$0x3FB5] =	sst s9;
	s0 =	simm.s32 @!p0 $0x0  }
0x12: {  	s1 =	sld [smem:$0x3F9B];
	s0 =	simm.s32 @p0 $0x1  }
0x13: {  	[smem:$0x3FB6] =	sst s0;
	s0 =	simm.s32 @!p1 $0x0  }
0x14: {  	s2 =	sld [smem:$0x3F9A];
	s0 =	simm.s32 @p1 $0x1  }
0x15: {  	[smem:$0x3FB7] =	sst s0;
	s0 =	simm.s32 @!p2 $0x0  }
0x16: {  	s3 =	sld [smem:$0x3FDB];
	s0 =	simm.s32 @p2 $0x1  }
0x17: {  	s4 =	simm.s32 $0x1BF5;
	[smem:$0x3FB9] =	sst s0  }
0x18: {  	s0 =	sld [smem:$0x3F9C];
	_ =	swait.ge [sflag:s4], $0x0  }
0x19: {  	s7 =	sld [smem:$0x3F9D]  }
0x1a: {  	s8 =	sadd.s32 $0xFFFFE003, lr  }
0x1b: {  	s9 =	sadd.s32 $0xFFFFFEF7, lr;
	s5 =	simm.s32 $0xFFFFFFFF;
	p2 =	slt.u32 s8, $0xFFFFF086  }
0x1c: {  	p1 =	slt.u32 s9, $0xF7A;
	s5 =	simm.s32 @!p2 $0x0  }
0x1d: {  	s5 =	simm.s32 @p1 $0x1;
	p0 =	seq.s32 s7, s2  }
0x1e: {  	s7 =	smul.u32 @!p0 $0xF7A, s2;
	p2 =	seq.s32 @!p0 s5, $0x0  }
0x1f: {  	s9 =	smul.u32 $0xF7A, s1;
	s8 =	simm.s32 @!p0 $0x1BF5;
	p2 =	por !p2, p0  }
0x20: {  	[sflag:s8] =	ssyncset.s32 @!p0 $0xFFFFF086;
	s6 =	sadd.s32 @!p0 s3, s7;
	s7 =	simm.s32 @!p0 $0x108  }
0x21: {  	s3 =	sadd.s32 s3, s9;
	s6 =	sadd.s32 @!p0 $0x88, s6;
	s7 =	simm.s32 @p2 $0x1082  }
0x22: {  	[simem:s7], [sflag:s8] =	dma.local @!p0 [hbm:s6], $0xF7A  }
0x23: {  	s9 =	sor.u32 $0xD0000000, s2;
	s6 =	simm.s32 $0x108;
	_ =	swait.ge @!p0 [sflag:s8], $0x0  }
0x24: {  	s3 =	sadd.s32 $0x88, s3;
	s6 =	simm.s32 @!p1 $0x1082;
	[sflag:s4] =	ssyncset.s32 $0xFFFFF086  }
0x25: {  	[simem:s6], [sflag:s4] =	dma.local [hbm:s3], $0xF7A  }
0x26: {  	[smem:$0x3F9D] =	sst s1;
	(tag) =	ssettag s2;
	_ =	strace s9  }
0x27: {  	s1 =	sld [smem:$0x3FAD]  }
0x28: {  	s2 =	sld [smem:$0x3FAE]  }
0x29: {  	s4 =	sld [smem:$0x3FB0]  }
0x2a: {  	p0 =	seq.s32 s5, $0x0;
	s5 =	sld [smem:$0x3FB1]  }
0x2b: {  	s6 =	sld [smem:$0x3FB2]  }
0x2c: {  	s7 =	sld [smem:$0x3FB3]  }
0x2d: {  	s3 =	simm.s32 $0x108;
	s8 =	sld [smem:$0x3FB4]  }
0x2e: {  	s3 =	simm.s32 @!p0 $0x1082;
	s9 =	sld [smem:$0x3FB5]  }
0x2f: {  	lr =	sadd.s32 s0, s3;
	s0 =	sld [smem:$0x3FAC]  }
0x30: {  	s3 =	sld [smem:$0x3FAF]  }
0x31: {  	[smem:$0x3FB8] =	sst s10  }
0x32: {  	s10 =	sld [smem:$0x3FB6];
	_ =	sdelay $0x3  }
0x33: {  	p0 =	seq.s32 s10, $0x1;
	s10 =	sld [smem:$0x3FB8];
	_ =	sdelay $0x3  }
0x34: {  	[smem:$0x3FB8] =	sst s10  }
0x35: {  	s10 =	sld [smem:$0x3FB7];
	_ =	sdelay $0x3  }
0x36: {  	p1 =	seq.s32 s10, $0x1;
	s10 =	sld [smem:$0x3FB8];
	_ =	sdelay $0x3  }
0x37: {  	[smem:$0x3FB8] =	sst s10  }
0x38: {  	s10 =	sld [smem:$0x3FB9]  }
0x39: {  	_ = 	snop;
	(pc) =	sbr.ind lr, $3  }
0x3a: {  	_ = 	snop  }
0x3b: {  	_ = 	snop  }
0x3c: {  	p2 =	seq.s32 s10, $0x1;
	s10 =	sld [smem:$0x3FB8]  }
0x3d: {  	_ =	shalt  }
0x3e: {  	_ =	shalt  }
0x3f: {  	_ =	shalt  }
0x40: {  	_ =	shalt  }
0x41: {  	_ =	shalt  }
0x42: {  	_ =	shalt  }
0x43: {  	_ =	shalt  }
0x44: {  	_ =	shalt  }
0x45: {  	_ =	shalt  }
0x46: {  	_ =	shalt  }
0x47: {  	_ =	shalt  }
0x48: {  	_ =	shalt  }
0x49: {  	_ =	shalt  }
0x4a: {  	_ =	shalt  }
0x4b: {  	_ =	shalt  }
0x4c: {  	_ =	shalt  }
0x4d: {  	_ =	shalt  }
0x4e: {  	_ =	shalt  }
0x4f: {  	_ =	shalt  }
0x50: {  	_ =	shalt  }
0x51: {  	_ =	shalt  }
0x52: {  	_ =	shalt  }
0x53: {  	_ =	shalt  }
0x54: {  	_ =	shalt  }
0x55: {  	_ =	shalt  }
0x56: {  	_ =	shalt  }
0x57: {  	_ =	shalt  }
0x58: {  	_ =	shalt  }
0x59: {  	_ =	shalt  }
0x5a: {  	_ =	shalt  }
0x5b: {  	_ =	shalt  }
0x5c: {  	_ =	shalt  }
0x5d: {  	_ =	shalt  }
0x5e: {  	_ =	shalt  }
0x5f: {  	_ =	shalt  }
0x60: {  	_ =	shalt  }
0x61: {  	_ =	shalt  }
0x62: {  	_ =	shalt  }
0x63: {  	_ =	shalt  }
0x64: {  	_ =	shalt  }
0x65: {  	_ =	shalt  }
0x66: {  	_ =	shalt  }
0x67: {  	_ =	shalt  }
0x68: {  	_ =	shalt  }
0x69: {  	_ =	shalt  }
0x6a: {  	_ =	shalt  }
0x6b: {  	_ =	shalt  }
0x6c: {  	_ =	shalt  }
0x6d: {  	_ =	shalt  }
0x6e: {  	_ =	shalt  }
0x6f: {  	_ =	shalt  }
0x70: {  	_ =	shalt  }
0x71: {  	_ =	shalt  }
0x72: {  	_ =	shalt  }
0x73: {  	_ =	shalt  }
0x74: {  	_ =	shalt  }
0x75: {  	_ =	shalt  }
0x76: {  	_ =	shalt  }
0x77: {  	_ =	shalt  }
0x78: {  	_ =	shalt  }
0x79: {  	_ =	shalt  }
0x7a: {  	_ =	shalt  }
0x7b: {  	_ =	shalt  }
0x7c: {  	_ =	shalt  }
0x7d: {  	_ =	shalt  }
0x7e: {  	_ =	shalt  }
0x7f: {  	_ =	shalt  }
0x80: {  	_ =	shalt  }
0x81: {  	_ =	shalt  }
0x82: {  	_ =	shalt  }
0x83: {  	_ =	shalt  }
0x84: {  	_ =	shalt  }
0x85: {  	_ =	shalt  }
0x86: {  	_ =	shalt  }
0x87: {  	_ =	shalt  }
.Lfunc_end0:
.L_simem_size_0:
called_computation_lowered:
.L_overlay_start_0:
0x88: {  	s2 =	sld [smem:$0x3FD9]  }
0x89: {  	s3 =	sld [smem:$0x3FFE];
	_ =	sdelay $0x1  }
0x8a: {  	s1 =	srdreg.scid  }
0x8b: {  	s0 =	sand.u32 $0x1, s1  }
0x8c: {  	s17 =	sshll.u32 s0, $0xA;
	s2 =	sadd.s32 s3, s2  }
0x8d: {  	s2 =	sadd.s32 s2, s17  }
0x8e: {  	[smem:$0x3FC4] =	sst s2  }
0x8f: {  	_ = 	snop  }
0x90: {  	s2 =	sld [smem:$0x3FD0];
	(tm) =	ssettm $0x1  }
0x91: {  	s18 =	sld [smem:$0x3FFB];
	_ =	sdelay $0x3  }
0x92: {  	_ =	strace s18  }
0x93: {  	s3 =	sld [smem:$0x3FFC];
	_ =	sdelay $0x3  }
0x94: {  	_ =	strace s3  }
0x95: {  	s3 =	sld [smem:$0x3FFD];
	_ =	sdelay $0x3  }
0x96: {  	_ =	strace s3  }
0x97: {  	_ =	strace $0x8FFFFFFF  }
0x98: {  	s19 =	sld [smem:$0x3FDB];
	_ =	sdelay $0x1  }
0x99: {  	s4 =	simm.s32 $_scs_section_size  }
0x9a: {  	s5 =	simm.s32 $_size__tile_overlayer_lowered;
	s6 =	simm.s32 $_tile_overlayer_lowered  }
0x9b: {  	s22 =	simm.s32 $0x1BFF;
	s21 =	sshll.u32 s6, $0x1;
	s3 =	sadd.s32 s4, s19  }
0x9c: {  	s7 =	simm.s32 $0x0;
	s20 =	sshll.u32 s5, $0x1;
	s5 =	sadd.s32 s21, s3  }
0x9d: {  	[timem:s7], [sflag:s22] =	dma.local [hbm:s5], s20  }
0x9e: {  	_ =	swait.ge [sflag:s22], s20  }
0x9f: {  	s4 =	ssub.s32 $0x0, s20;
	[sflag:s22] =	ssyncset.done $0x0  }
0xa0: {  	[sflag:s22] =	ssyncadd.s32 s4;
	_ =	sdelay $0x1  }
0xa1: {  	s23 =	simm.s32 $0x1B8B  }
0xa2: {  	_ =	swait.ge [sflag:s23], $0x1  }
0xa3: {  	[sflag:s23] =	ssyncset.done $0x0  }
0xa4: {  	s25 =	simm.s32 $0x1B8E;
	s24 =	sld [smem:$0x3FFE];
	[sflag:s23] =	ssyncadd.s32 $0xFFFFFFFF  }
0xa5: {  	s26 =	simm.s32 $execute0_lowered;
	[smem:$0x3FD2] =	sst s25  }
0xa6: {  	s5 =	sshll.u32 s26, $0x1;
	_ =	strace $0x80000046;
	[dreg:$0x1] =	wrdreg $0xFFFFFFFF  }
0xa7: {  	s28 =	simm.s32 $_size_execute0_lowered;
	s3 =	sadd.s32 s3, s5;
	[dreg:$0x0] =	wrdreg $0x0  }
0xa8: {  	s5 =	sshll.u32 s28, $0x1;
	[dreg:$0x2] =	wrdreg s3  }
0xa9: {  	[dreg:$0x3] =	wrdreg s5  }
0xaa: {  	[dreg:$0x4] =	wrdreg $0xC0  }
0xab: {  	_ =	task [dreg:s7], $0x5FFFF  }
0xac: {  	[dreg:$0x1] =	wrdreg $0xFFFFFFFF  }
0xad: {  	[dreg:$0x0] =	wrdreg $0x60  }
0xae: {  	[dreg:$0x2] =	wrdreg s24  }
0xaf: {  	[dreg:$0x3] =	wrdreg s2  }
0xb0: {  	[dreg:$0x4] =	wrdreg $0x10800  }
0xb1: {  	[dreg:$0x5] =	wrdreg $0x9  }
0xb2: {  	_ =	task.clear_ibuf [dreg:s7], $0x6FFFF;
	_ =	strace $0x90000046  }
0xb3: {  	s29 =	simm.s32 $0x9;
	_ =	strace $0x80000048  }
0xb4: {  	_ =	swait.ge [sflag:s29], $0x1  }
0xb5: {  	[sflag:s29] =	ssyncadd.s32 $0xFFFFFFFF  }
0xb6: {  	_ =	strace $0x90000048  }
0xb7: {  	_ =	sfence  }
0xb8: {  	s30 =	sld [smem:$0x0];
	_ =	sdelay $0x2  }
0xb9: {  	s31 =	sshll.u32 s1, $0xD;
	s1 =	sshrl.u32 s1, $0x2  }
0xba: {  	s3 =	sand.u32 $0x4000, s31;
	s1 =	sadd.s32 s1, s30  }
0xbb: {  	s0 =	sor.u32 s3, s0;
	s1 =	sshll.u32 s1, $0x11  }
0xbc: {  	s0 =	sor.u32 s1, s0  }
0xbd: {  	s0 =	sadd.s32 $0x8F2B, s0  }
0xbe: {  	[sflag:s0] =	ssyncadd.remote.s32 $0x1  }
0xbf: {  	_ =	sfence.sel $0xFFFF  }
0xc0: {  	[dreg:$0x0] =	wrdreg $0xFFFFFFFF;
	(pc) =	sbr.abs _section_cstart, $3  }
0xc1: {  	[dreg:$0x1] =	wrdreg $0xFFFFFFFF  }
0xc2: {  	_ =	task.clear_ibuf [dreg:s7], $0x2FFFF;
	_ =	strace $0x9FFFFFFF  }
0xc3: {  	(tm) =	ssettm $0x7FFFFFFF  }
tec
execute0_lowered:
.L_overlay_start_1:
0x0: {  	(tag) =	ssettag $0x1  }
0x1: {  	s4 =	rddreg [dreg:$0x0]  }
0x2: {  	s10 =	rddreg [dreg:$0x1]  }
0x3: {  	s2 =	rddreg [dreg:$0x2]  }
0x4: {  	s0 =	rddreg [dreg:$0x3]  }
0x5: {  	s3 =	simm.s32 $0x0;
	s1 =	stileid.u32;
	s5 =	srdreg.scid  }
0x6: {  	s15 =	simm.s32 $0x1000;
	s16 =	simm.s32 $0x1;
	s17 =	simm.s32 $0x64  }
0x7: {  	s20 =	simm.s32 $0x20;
	s21 =	simm.s32 $0x10;
	s22 =	simm.s32 $0x0  }
0x8: {  	[smem:$0x7FF] =	sst s3;
	s8 =	sand.u32 $0x1, s5;
	s30 =	smul.u32 $0xA00, s1  }
0x9: {  	s6 =	sshll.u32 s1, $0xB;
	s12 =	smul.u32 $0x500, s1;
	s18 =	sshll.u32 s1, $0x6  }
0xa: {  	_ =	strace $0x80000047;
	s7 =	ssub.s32 $0x2, s8;
	s9 =	sadd.s32 s6, s4  }
0xb: {  	s13 =	sshll.u32 s8, $0x7;
	s14 =	sshll.u32 s8, $0xF;
	s18 =	sor.u32 $0x1C01, s18  }
0xc: {  	s31 =	sshrl.u32 s7, $0x1;
	s5 =	sshrl.u32 s30, $0x2;
	s12 =	sor.u32 s13, s12  }
0xd: {  	s14 =	sadd.s32 s14, s9;
	s11 =	ssub.s32 s7, s31;
	s4 =	sadd.s32 s5, s2  }
0xe: {  	s12 =	sshrl.u32 s12, $0x3;
	s9 =	sadd.s32 $0x1600, s14;
	s13 =	sadd.s32 $0x1A00, s14  }
0xf: {  	s5 =	sadd.s32 $0x80, s4;
	s6 =	sadd.s32 $0x100, s4;
	s7 =	sadd.s32 $0x180, s4  }
0x10: {  	s8 =	sadd.s32 $0x200, s4;
	s10 =	sadd.s32 s10, s12;
	s11 =	smax.u32 s11, $0x1  }
0x11: {  	v0 =	vimm.f32 $0.0e+00;
	v1 =	vimm.f32 $1.000000000e+00;
	s12 =	sadd.s32 $0x1800, s14;
	s14 =	sadd.s32 $0x1C00, s14;
	s19 =	sshrl.u32 s4, $0x3  }
.LBB2_1:
0x12: {  	[tilespmem:$0x1000] =	vst v0  }
0x13: {  	[tilespmem:$0x1010] =	vst v0  }
0x14: {  	[tilespmem:$0x1020] =	vst v0  }
0x15: {  	[tilespmem:$0x1030] =	vst v0  }
0x16: {  	[tilespmem:$0x1040] =	vst v0  }
0x17: {  	[tilespmem:$0x1050] =	vst v0  }
0x18: {  	[tilespmem:$0x1060] =	vst v0  }
0x19: {  	[tilespmem:$0x1070] =	vst v0  }
0x1a: {  	[spmem:s4] =	stream.linear.scatter [tilespmem:s15], [sflag:$0x1], $0x80, $0x38;
	[tilespmem:$0x1300] =	vst v63  }
0x1b: {  	_ =	swait.ge [sflag:s16], $0x80  }
0x1c: {  	[sflag:s16] =	ssyncset.done $0x0  }
0x1d: {  	[sflag:s16] =	ssyncadd.s32 $0xFFFFFF80  }
0x1e: {  	[spmem:s5] =	stream.linear.scatter [tilespmem:s15], [sflag:$0x1], $0x80, $0x38;
	[tilespmem:$0x1300] =	vst v63  }
0x1f: {  	_ =	swait.ge [sflag:s16], $0x80  }
0x20: {  	[sflag:s16] =	ssyncset.done $0x0  }
0x21: {  	[sflag:s16] =	ssyncadd.s32 $0xFFFFFF80  }
0x22: {  	[spmem:s6] =	stream.linear.scatter [tilespmem:s15], [sflag:$0x1], $0x80, $0x38;
	[tilespmem:$0x1300] =	vst v63  }
0x23: {  	_ =	swait.ge [sflag:s16], $0x80  }
0x24: {  	[sflag:s16] =	ssyncset.done $0x0  }
0x25: {  	[sflag:s16] =	ssyncadd.s32 $0xFFFFFF80  }
0x26: {  	[spmem:s7] =	stream.linear.scatter [tilespmem:s15], [sflag:$0x1], $0x80, $0x38;
	[tilespmem:$0x1300] =	vst v63  }
0x27: {  	_ =	swait.ge [sflag:s16], $0x80  }
0x28: {  	[sflag:s16] =	ssyncset.done $0x0  }
0x29: {  	[sflag:s16] =	ssyncadd.s32 $0xFFFFFF80  }
0x2a: {  	[spmem:s8] =	stream.linear.scatter [tilespmem:s15], [sflag:$0x1], $0x80, $0x38;
	[tilespmem:$0x1300] =	vst v63  }
0x2b: {  	_ =	swait.ge [sflag:s16], $0x80  }
0x2c: {  	[sflag:s16] =	ssyncset.done $0x0  }
0x2d: {  	[sflag:s16] =	ssyncadd.s32 $0xFFFFFF80  }
0x2e: {  	[tilespmem:$0x1000] =	vst v1  }
0x2f: {  	[tilespmem:$0x1010] =	vst v1  }
0x30: {  	[tilespmem:$0x1020] =	vst v1  }
0x31: {  	[tilespmem:$0x1030] =	vst v1  }
0x32: {  	[tilespmem:$0x1040] =	vst v1  }
0x33: {  	[tilespmem:$0x1050] =	vst v1  }
0x34: {  	[tilespmem:$0x1060] =	vst v1  }
0x35: {  	[tilespmem:$0x1070] =	vst v1  }
0x36: {  	[bflag:$0x0] =	sbarrier.arrive $0xFFFF  }
0x37: {  	[tilespmem:s3], [sflag:$0x1] =	stream.linear.gather [hbm4b:s9+s3], $0xC80, $0x38;
	[tilespmem:$0x1300] =	vst v63  }
0x38: {  	_ =	swait.ge [sflag:s16], $0xC80  }
0x39: {  	[sflag:s16] =	ssyncset.done $0x0  }
0x3a: {  	s23 =	simm.s32 $0x0;
	[sflag:s16] =	ssyncadd.s32 $0xFFFFF380  }
0x3b: {  	[spmem:s2] =	stream.indirect.scatter.add.f32 [tilespmem:s15], [sflag:$0x1], $0x1, s23, s17, $0xb8;
	[tilespmem:$0x1300] =	vst v63  }
0x3c: {  	_ =	swait.ge [sflag:s16], $0x64  }
0x3d: {  	s23 =	simm.s32 $0x200;
	[sflag:s16] =	ssyncset.done $0x0  }
.LBB2_2:
0x3e: {  	s24 =	sshra.s32 s23, $0x2;
	[sflag:s16] =	ssyncadd.s32 $0xFFFFFF9C;
	p0 =	sne.s32 s23, $0x3000  }
0x3f: {  	[spmem:s2] =	stream.indirect.scatter.add.f32 [tilespmem:s15], [sflag:$0x1], $0x1, s24, s17, $0xb8;
	[tilespmem:$0x1300] =	vst v63  }
.Ltmp0:
0x40: {  	_ = 	snop;
	(pc) =	sbr.rel @p0 .LBB2_2-.Ltmp0, $4  }
0x41: {  	_ = 	snop  }
0x42: {  	s23 =	sadd.s32 $0x200, s23  }
0x43: {  	_ =	swait.ge [sflag:s16], $0x64  }
0x44: {  	[sflag:s16] =	ssyncset.done $0x0  }
0x45: {  	[sflag:s16] =	ssyncadd.s32 $0xFFFFFF9C;
	s23 =	simm.s32 $0x0  }
0x46: {  	[tilespmem:s23], [sflag:$0x1] =	stream.linear.gather [hbm4b:s12+s23], $0xC80, $0x38;
	[tilespmem:$0x1300] =	vst v63  }
0x47: {  	_ =	swait.ge [sflag:s16], $0xC80  }
0x48: {  	[sflag:s16] =	ssyncset.done $0x0  }
0x49: {  	s31 =	simm.s32 $0x0;
	[sflag:s16] =	ssyncadd.s32 $0xFFFFF380  }
0x4a: {  	[spmem:s2] =	stream.indirect.scatter.add.f32 [tilespmem:s15], [sflag:$0x1], $0x1, s31, s17, $0xb8;
	[tilespmem:$0x1300] =	vst v63  }
0x4b: {  	_ =	swait.ge [sflag:s16], $0x64  }
0x4c: {  	s23 =	simm.s32 $0x200;
	[sflag:s16] =	ssyncset.done $0x0  }
.LBB2_4:
0x4d: {  	s24 =	sshra.s32 s23, $0x2;
	[sflag:s16] =	ssyncadd.s32 $0xFFFFFF9C;
	p0 =	sne.s32 s23, $0x3000  }
0x4e: {  	[spmem:s2] =	stream.indirect.scatter.add.f32 [tilespmem:s15], [sflag:$0x1], $0x1, s24, s17, $0xb8;
	[tilespmem:$0x1300] =	vst v63  }
.Ltmp1:
0x4f: {  	_ = 	snop;
	(pc) =	sbr.rel @p0 .LBB2_4-.Ltmp1, $4  }
0x50: {  	_ = 	snop  }
0x51: {  	s23 =	sadd.s32 $0x200, s23  }
0x52: {  	_ =	swait.ge [sflag:s16], $0x64  }
0x53: {  	[sflag:s16] =	ssyncset.done $0x0  }
0x54: {  	[sflag:s16] =	ssyncadd.s32 $0xFFFFFF9C;
	s23 =	simm.s32 $0x0  }
0x55: {  	[tilespmem:s23], [sflag:$0x1] =	stream.linear.gather [hbm4b:s13+s23], $0xC80, $0x38;
	[tilespmem:$0x1300] =	vst v63  }
0x56: {  	_ =	swait.ge [sflag:s16], $0xC80  }
0x57: {  	[sflag:s16] =	ssyncset.done $0x0  }
0x58: {  	s31 =	simm.s32 $0x0;
	[sflag:s16] =	ssyncadd.s32 $0xFFFFF380  }
0x59: {  	[spmem:s2] =	stream.indirect.scatter.add.f32 [tilespmem:s15], [sflag:$0x1], $0x1, s31, s17, $0xb8;
	[tilespmem:$0x1300] =	vst v63  }
0x5a: {  	_ =	swait.ge [sflag:s16], $0x64  }
0x5b: {  	s23 =	simm.s32 $0x200;
	[sflag:s16] =	ssyncset.done $0x0  }
.LBB2_6:
0x5c: {  	s24 =	sshra.s32 s23, $0x2;
	[sflag:s16] =	ssyncadd.s32 $0xFFFFFF9C;
	p0 =	sne.s32 s23, $0x3000  }
0x5d: {  	[spmem:s2] =	stream.indirect.scatter.add.f32 [tilespmem:s15], [sflag:$0x1], $0x1, s24, s17, $0xb8;
	[tilespmem:$0x1300] =	vst v63  }
.Ltmp2:
0x5e: {  	_ = 	snop;
	(pc) =	sbr.rel @p0 .LBB2_6-.Ltmp2, $4  }
0x5f: {  	_ = 	snop  }
0x60: {  	s23 =	sadd.s32 $0x200, s23  }
0x61: {  	_ =	swait.ge [sflag:s16], $0x64  }
0x62: {  	[sflag:s16] =	ssyncset.done $0x0  }
0x63: {  	[sflag:s16] =	ssyncadd.s32 $0xFFFFFF9C;
	s23 =	simm.s32 $0x0  }
0x64: {  	[tilespmem:s23], [sflag:$0x1] =	stream.linear.gather [hbm4b:s14+s23], $0xC80, $0x38;
	[tilespmem:$0x1300] =	vst v63  }
0x65: {  	_ =	swait.ge [sflag:s16], $0xC80  }
0x66: {  	[sflag:s16] =	ssyncset.done $0x0  }
0x67: {  	s31 =	simm.s32 $0x0;
	[sflag:s16] =	ssyncadd.s32 $0xFFFFF380  }
0x68: {  	[spmem:s2] =	stream.indirect.scatter.add.f32 [tilespmem:s15], [sflag:$0x1], $0x1, s31, s17, $0xb8;
	[tilespmem:$0x1300] =	vst v63  }
0x69: {  	_ =	swait.ge [sflag:s16], $0x64  }
0x6a: {  	s23 =	simm.s32 $0x200;
	[sflag:s16] =	ssyncset.done $0x0  }
.LBB2_8:
0x6b: {  	s24 =	sshra.s32 s23, $0x2;
	[sflag:s16] =	ssyncadd.s32 $0xFFFFFF9C;
	p0 =	sne.s32 s23, $0x3000  }
0x6c: {  	[spmem:s2] =	stream.indirect.scatter.add.f32 [tilespmem:s15], [sflag:$0x1], $0x1, s24, s17, $0xb8;
	[tilespmem:$0x1300] =	vst v63  }
.Ltmp3:
0x6d: {  	_ = 	snop;
	(pc) =	sbr.rel @p0 .LBB2_8-.Ltmp3, $4  }
0x6e: {  	_ = 	snop  }
0x6f: {  	s23 =	sadd.s32 $0x200, s23  }
0x70: {  	_ =	swait.ge [sflag:s16], $0x64  }
0x71: {  	[sflag:s16] =	ssyncset.done $0x0  }
0x72: {  	s22 =	sadd.s32 $0x1, s22  }
0x73: {  	[sflag:s16] =	ssyncadd.s32 $0xFFFFFF9C;
	p0 =	sne.s32 s22, s11  }
.Ltmp4:
0x74: {  	[bflag:$0x0] =	sbarrier.arrive $0xFFFF;
	(pc) =	sbr.rel @p0 .LBB2_1-.Ltmp4, $4  }
0x75: {  	[hbm:s10@s20], [sflag:s18] =	dma.strided [spmem:s19@s21], $0x50, s16, $0x10   }
0x76: {  	_ =	swait.ge [sflag:s16], $0x50  }
0x77: {  	[sflag:s16] =	ssyncset.done $0x0  }
0x78: {  	[sflag:s16] =	ssyncadd.s32 $0xFFFFFFB0  }
0x79: {  	_ =	sfence.sel $0x180000  }
0x7a: {  	[bflag:$0x0] =	sbarrier.arrive $0xFFFF  }
0x7b: {  	p0 =	sne.s32 s1, $0x0;
	_ =	strace $0x90000047  }
0x7c: {  	s0 =	sadd.s32 @!p0 $0x100000, s0;
	[bflag:$0x2] =	sbarrier.arrive $0xFFFF  }
0x7d: {  	[sflag:s0] =	ssyncadd.tile.s32 @!p0 $0x1;
	_ =	shalt  }
.Lfunc_end2:
_tile_overlayer_lowered:
.L_overlay_start_2:
0x7e: {  	(tag) =	ssettag $0x2  }
0x7f: {  	s0 =	rddreg [dreg:$0x0];
	s2 =	stileid.u32  }
0x80: {  	s1 =	rddreg [dreg:$0x1];
	p0 =	sne.s32 s2, $0x0  }
0x81: {  	s3 =	rddreg [dreg:$0x2];
	[bflag:$0x3] =	sbarrier.arrive $0xFFFF;
	s2 =	simm.s32 @!p0 $0x1C01  }
0x82: {  	[timem:s3], [sflag:s2] =	dma.local @!p0 [hbm:s0], s1  }
0x83: {  	s0 =	simm.s32 @!p0 $0x1  }
0x84: {  	_ =	swait.ge @!p0 [sflag:s0], s1  }
0x85: {  	s1 =	ssub.s32 @!p0 $0x0, s1;
	[sflag:s0] =	ssyncset.done @!p0 $0x0  }
0x86: {  	[sflag:s0] =	ssyncadd.s32 @!p0 s1  }
0x87: {  	[bflag:$0x3] =	sbarrier.arrive $0xFFFF  }
0x88: {  	_ =	shalt  }

// kernel: kernel.9.cloned.1.call-start
scs
__scs_entry_jumppad:
0x0: {  	(pc) =	sbr.rel $0x88, $3  }
0x1: {  	(tag) =	ssettag $0x0;
	lr =	simm.s32 $0x1  }
0x2: {  	[smem:$0x3F9D] =	sst lr;
	_ =	strace $0xD0000000  }
0x3: {  	_ = 	snop  }
0x4: {  	_ = 	snop  }
0x5: {  	_ = 	snop  }
0x6: {  	_ = 	snop  }
0x7: {  	_ = 	snop  }
__scs_overlays_trampoline_lowered:
0x8: {  	[smem:$0x3FAC] =	sst s0  }
0x9: {  	[smem:$0x3FAD] =	sst s1  }
0xa: {  	[smem:$0x3FAE] =	sst s2  }
0xb: {  	[smem:$0x3FAF] =	sst s3  }
0xc: {  	[smem:$0x3FB0] =	sst s4  }
0xd: {  	[smem:$0x3FB1] =	sst s5  }
0xe: {  	[smem:$0x3FB2] =	sst s6  }
0xf: {  	[smem:$0x3FB3] =	sst s7  }
0x10: {  	[smem:$0x3FB4] =	sst s8  }
0x11: {  	[smem:$0x3FB5] =	sst s9;
	s0 =	simm.s32 @!p0 $0x0  }
0x12: {  	s1 =	sld [smem:$0x3F9B];
	s0 =	simm.s32 @p0 $0x1  }
0x13: {  	[smem:$0x3FB6] =	sst s0;
	s0 =	simm.s32 @!p1 $0x0  }
0x14: {  	s2 =	sld [smem:$0x3F9A];
	s0 =	simm.s32 @p1 $0x1  }
0x15: {  	[smem:$0x3FB7] =	sst s0;
	s0 =	simm.s32 @!p2 $0x0  }
0x16: {  	s3 =	sld [smem:$0x3FDB];
	s0 =	simm.s32 @p2 $0x1  }
0x17: {  	s4 =	simm.s32 $0x1BF5;
	[smem:$0x3FB9] =	sst s0  }
0x18: {  	s0 =	sld [smem:$0x3F9C];
	_ =	swait.ge [sflag:s4], $0x0  }
0x19: {  	s7 =	sld [smem:$0x3F9D]  }
0x1a: {  	s8 =	sadd.s32 $0xFFFFE003, lr  }
0x1b: {  	s9 =	sadd.s32 $0xFFFFFEF7, lr;
	s5 =	simm.s32 $0xFFFFFFFF;
	p2 =	slt.u32 s8, $0xFFFFF086  }
0x1c: {  	p1 =	slt.u32 s9, $0xF7A;
	s5 =	simm.s32 @!p2 $0x0  }
0x1d: {  	s5 =	simm.s32 @p1 $0x1;
	p0 =	seq.s32 s7, s2  }
0x1e: {  	s7 =	smul.u32 @!p0 $0xF7A, s2;
	p2 =	seq.s32 @!p0 s5, $0x0  }
0x1f: {  	s9 =	smul.u32 $0xF7A, s1;
	s8 =	simm.s32 @!p0 $0x1BF5;
	p2 =	por !p2, p0  }
0x20: {  	[sflag:s8] =	ssyncset.s32 @!p0 $0xFFFFF086;
	s6 =	sadd.s32 @!p0 s3, s7;
	s7 =	simm.s32 @!p0 $0x108  }
0x21: {  	s3 =	sadd.s32 s3, s9;
	s6 =	sadd.s32 @!p0 $0x88, s6;
	s7 =	simm.s32 @p2 $0x1082  }
0x22: {  	[simem:s7], [sflag:s8] =	dma.local @!p0 [hbm:s6], $0xF7A  }
0x23: {  	s9 =	sor.u32 $0xD0000000, s2;
	s6 =	simm.s32 $0x108;
	_ =	swait.ge @!p0 [sflag:s8], $0x0  }
0x24: {  	s3 =	sadd.s32 $0x88, s3;
	s6 =	simm.s32 @!p1 $0x1082;
	[sflag:s4] =	ssyncset.s32 $0xFFFFF086  }
0x25: {  	[simem:s6], [sflag:s4] =	dma.local [hbm:s3], $0xF7A  }
0x26: {  	[smem:$0x3F9D] =	sst s1;
	(tag) =	ssettag s2;
	_ =	strace s9  }
0x27: {  	s1 =	sld [smem:$0x3FAD]  }
0x28: {  	s2 =	sld [smem:$0x3FAE]  }
0x29: {  	s4 =	sld [smem:$0x3FB0]  }
0x2a: {  	p0 =	seq.s32 s5, $0x0;
	s5 =	sld [smem:$0x3FB1]  }
0x2b: {  	s6 =	sld [smem:$0x3FB2]  }
0x2c: {  	s7 =	sld [smem:$0x3FB3]  }
0x2d: {  	s3 =	simm.s32 $0x108;
	s8 =	sld [smem:$0x3FB4]  }
0x2e: {  	s3 =	simm.s32 @!p0 $0x1082;
	s9 =	sld [smem:$0x3FB5]  }
0x2f: {  	lr =	sadd.s32 s0, s3;
	s0 =	sld [smem:$0x3FAC]  }
0x30: {  	s3 =	sld [smem:$0x3FAF]  }
0x31: {  	[smem:$0x3FB8] =	sst s10  }
0x32: {  	s10 =	sld [smem:$0x3FB6];
	_ =	sdelay $0x3  }
0x33: {  	p0 =	seq.s32 s10, $0x1;
	s10 =	sld [smem:$0x3FB8];
	_ =	sdelay $0x3  }
0x34: {  	[smem:$0x3FB8] =	sst s10  }
0x35: {  	s10 =	sld [smem:$0x3FB7];
	_ =	sdelay $0x3  }
0x36: {  	p1 =	seq.s32 s10, $0x1;
	s10 =	sld [smem:$0x3FB8];
	_ =	sdelay $0x3  }
0x37: {  	[smem:$0x3FB8] =	sst s10  }
0x38: {  	s10 =	sld [smem:$0x3FB9]  }
0x39: {  	_ = 	snop;
	(pc) =	sbr.ind lr, $3  }
0x3a: {  	_ = 	snop  }
0x3b: {  	_ = 	snop  }
0x3c: {  	p2 =	seq.s32 s10, $0x1;
	s10 =	sld [smem:$0x3FB8]  }
0x3d: {  	_ =	shalt  }
0x3e: {  	_ =	shalt  }
0x3f: {  	_ =	shalt  }
0x40: {  	_ =	shalt  }
0x41: {  	_ =	shalt  }
0x42: {  	_ =	shalt  }
0x43: {  	_ =	shalt  }
0x44: {  	_ =	shalt  }
0x45: {  	_ =	shalt  }
0x46: {  	_ =	shalt  }
0x47: {  	_ =	shalt  }
0x48: {  	_ =	shalt  }
0x49: {  	_ =	shalt  }
0x4a: {  	_ =	shalt  }
0x4b: {  	_ =	shalt  }
0x4c: {  	_ =	shalt  }
0x4d: {  	_ =	shalt  }
0x4e: {  	_ =	shalt  }
0x4f: {  	_ =	shalt  }
0x50: {  	_ =	shalt  }
0x51: {  	_ =	shalt  }
0x52: {  	_ =	shalt  }
0x53: {  	_ =	shalt  }
0x54: {  	_ =	shalt  }
0x55: {  	_ =	shalt  }
0x56: {  	_ =	shalt  }
0x57: {  	_ =	shalt  }
0x58: {  	_ =	shalt  }
0x59: {  	_ =	shalt  }
0x5a: {  	_ =	shalt  }
0x5b: {  	_ =	shalt  }
0x5c: {  	_ =	shalt  }
0x5d: {  	_ =	shalt  }
0x5e: {  	_ =	shalt  }
0x5f: {  	_ =	shalt  }
0x60: {  	_ =	shalt  }
0x61: {  	_ =	shalt  }
0x62: {  	_ =	shalt  }
0x63: {  	_ =	shalt  }
0x64: {  	_ =	shalt  }
0x65: {  	_ =	shalt  }
0x66: {  	_ =	shalt  }
0x67: {  	_ =	shalt  }
0x68: {  	_ =	shalt  }
0x69: {  	_ =	shalt  }
0x6a: {  	_ =	shalt  }
0x6b: {  	_ =	shalt  }
0x6c: {  	_ =	shalt  }
0x6d: {  	_ =	shalt  }
0x6e: {  	_ =	shalt  }
0x6f: {  	_ =	shalt  }
0x70: {  	_ =	shalt  }
0x71: {  	_ =	shalt  }
0x72: {  	_ =	shalt  }
0x73: {  	_ =	shalt  }
0x74: {  	_ =	shalt  }
0x75: {  	_ =	shalt  }
0x76: {  	_ =	shalt  }
0x77: {  	_ =	shalt  }
0x78: {  	_ =	shalt  }
0x79: {  	_ =	shalt  }
0x7a: {  	_ =	shalt  }
0x7b: {  	_ =	shalt  }
0x7c: {  	_ =	shalt  }
0x7d: {  	_ =	shalt  }
0x7e: {  	_ =	shalt  }
0x7f: {  	_ =	shalt  }
0x80: {  	_ =	shalt  }
0x81: {  	_ =	shalt  }
0x82: {  	_ =	shalt  }
0x83: {  	_ =	shalt  }
0x84: {  	_ =	shalt  }
0x85: {  	_ =	shalt  }
0x86: {  	_ =	shalt  }
0x87: {  	_ =	shalt  }
.Lfunc_end0:
.L_simem_size_0:
called_computation.1_lowered:
.L_overlay_start_0:
0x88: {  	s2 =	sld [smem:$0x3FD9]  }
0x89: {  	s3 =	sld [smem:$0x3FFE];
	_ =	sdelay $0x1  }
0x8a: {  	s1 =	srdreg.scid  }
0x8b: {  	s0 =	sand.u32 $0x1, s1  }
0x8c: {  	s17 =	sshll.u32 s0, $0xA;
	s2 =	sadd.s32 s3, s2  }
0x8d: {  	s2 =	sadd.s32 s2, s17  }
0x8e: {  	[smem:$0x3FC4] =	sst s2  }
0x8f: {  	_ = 	snop  }
0x90: {  	s2 =	sld [smem:$0x3FD0];
	(tm) =	ssettm $0x1  }
0x91: {  	s18 =	sld [smem:$0x3FFB];
	_ =	sdelay $0x3  }
0x92: {  	_ =	strace s18  }
0x93: {  	s3 =	sld [smem:$0x3FFC];
	_ =	sdelay $0x3  }
0x94: {  	_ =	strace s3  }
0x95: {  	s3 =	sld [smem:$0x3FFD];
	_ =	sdelay $0x3  }
0x96: {  	_ =	strace s3  }
0x97: {  	_ =	strace $0x8FFFFFFF  }
0x98: {  	s19 =	sld [smem:$0x3FDB];
	_ =	sdelay $0x1  }
0x99: {  	s4 =	simm.s32 $_scs_section_size  }
0x9a: {  	s5 =	simm.s32 $_size__tile_overlayer_lowered;
	s6 =	simm.s32 $_tile_overlayer_lowered  }
0x9b: {  	s22 =	simm.s32 $0x1BFF;
	s21 =	sshll.u32 s6, $0x1;
	s3 =	sadd.s32 s4, s19  }
0x9c: {  	s7 =	simm.s32 $0x0;
	s20 =	sshll.u32 s5, $0x1;
	s5 =	sadd.s32 s21, s3  }
0x9d: {  	[timem:s7], [sflag:s22] =	dma.local [hbm:s5], s20  }
0x9e: {  	_ =	swait.ge [sflag:s22], s20  }
0x9f: {  	s4 =	ssub.s32 $0x0, s20;
	[sflag:s22] =	ssyncset.done $0x0  }
0xa0: {  	[sflag:s22] =	ssyncadd.s32 s4;
	_ =	sdelay $0x1  }
0xa1: {  	s23 =	simm.s32 $0x1B8B  }
0xa2: {  	_ =	swait.ge [sflag:s23], $0x1  }
0xa3: {  	[sflag:s23] =	ssyncset.done $0x0  }
0xa4: {  	s25 =	simm.s32 $0x1B8E;
	s24 =	sld [smem:$0x3FFE];
	[sflag:s23] =	ssyncadd.s32 $0xFFFFFFFF  }
0xa5: {  	s26 =	simm.s32 $execute0_lowered;
	[smem:$0x3FD2] =	sst s25  }
0xa6: {  	s5 =	sshll.u32 s26, $0x1;
	_ =	strace $0x80000049;
	[dreg:$0x1] =	wrdreg $0xFFFFFFFF  }
0xa7: {  	s28 =	simm.s32 $_size_execute0_lowered;
	s3 =	sadd.s32 s3, s5;
	[dreg:$0x0] =	wrdreg $0x0  }
0xa8: {  	s5 =	sshll.u32 s28, $0x1;
	[dreg:$0x2] =	wrdreg s3  }
0xa9: {  	[dreg:$0x3] =	wrdreg s5  }
0xaa: {  	[dreg:$0x4] =	wrdreg $0xC0  }
0xab: {  	_ =	task [dreg:s7], $0x5FFFF  }
0xac: {  	[dreg:$0x1] =	wrdreg $0xFFFFFFFF  }
0xad: {  	[dreg:$0x0] =	wrdreg $0x60  }
0xae: {  	[dreg:$0x2] =	wrdreg s2  }
0xaf: {  	[dreg:$0x3] =	wrdreg s24  }
0xb0: {  	[dreg:$0x4] =	wrdreg $0xBC000  }
0xb1: {  	[dreg:$0x5] =	wrdreg $0x9  }
0xb2: {  	_ =	task.clear_ibuf [dreg:s7], $0x6FFFF;
	_ =	strace $0x90000049  }
0xb3: {  	s29 =	simm.s32 $0x9;
	_ =	strace $0x8000004B  }
0xb4: {  	_ =	swait.ge [sflag:s29], $0x1  }
0xb5: {  	[sflag:s29] =	ssyncadd.s32 $0xFFFFFFFF  }
0xb6: {  	_ =	strace $0x9000004B  }
0xb7: {  	_ =	sfence  }
0xb8: {  	s30 =	sld [smem:$0x0];
	_ =	sdelay $0x2  }
0xb9: {  	s31 =	sshll.u32 s1, $0xD;
	s1 =	sshrl.u32 s1, $0x2  }
0xba: {  	s3 =	sand.u32 $0x4000, s31;
	s1 =	sadd.s32 s1, s30  }
0xbb: {  	s0 =	sor.u32 s3, s0;
	s1 =	sshll.u32 s1, $0x11  }
0xbc: {  	s0 =	sor.u32 s1, s0  }
0xbd: {  	s0 =	sadd.s32 $0x8F2B, s0  }
0xbe: {  	[sflag:s0] =	ssyncadd.remote.s32 $0x1  }
0xbf: {  	_ =	sfence.sel $0xFFFF  }
0xc0: {  	[dreg:$0x0] =	wrdreg $0xFFFFFFFF;
	(pc) =	sbr.abs _section_cstart, $3  }
0xc1: {  	[dreg:$0x1] =	wrdreg $0xFFFFFFFF  }
0xc2: {  	_ =	task.clear_ibuf [dreg:s7], $0x2FFFF;
	_ =	strace $0x9FFFFFFF  }
0xc3: {  	(tm) =	ssettm $0x7FFFFFFF  }
tec
execute0_lowered:
.L_overlay_start_1:
0x0: {  	(tag) =	ssettag $0x1  }
0x1: {  	s1 =	rddreg [dreg:$0x0]  }
0x2: {  	s7 =	rddreg [dreg:$0x1]  }
0x3: {  	s2 =	rddreg [dreg:$0x2]  }
0x4: {  	s3 =	srdreg.scid;
	s0 =	rddreg [dreg:$0x3]  }
0x5: {  	s4 =	simm.s32 $0x0;
	s18 =	simm.s32 $0x4;
	s19 =	simm.s32 $0x1000  }
0x6: {  	s20 =	simm.s32 $0x64;
	s12 =	sand.u32 $0x1, s3;
	s3 =	stileid.u32  }
0x7: {  	[smem:$0x7FF] =	sst s4;
	s5 =	sadd.s32 $0x11600, s7;
	s8 =	smul.u32 $0x13C000, s12  }
0x8: {  	s6 =	sadd.s32 $0x1600, s7;
	s9 =	smul.u32 $0x13C00, s3;
	_ =	strace $0x8000004A  }
0x9: {  	s10 =	smul.u32 $0x4F000, s3;
	s31 =	ssub.s32 $0x2, s12;
	s14 =	sshll.u32 s12, $0xF  }
0xa: {  	s17 =	sshll.u32 s3, $0xB;
	s11 =	sshrl.u32 s31, $0x1;
	s8 =	sadd.s32 s9, s8  }
0xb: {  	s14 =	sor.u32 s17, s14;
	s10 =	sshrl.u32 s10, $0x2;
	s8 =	sshrl.u32 s8, $0x3  }
0xc: {  	s16 =	ssub.s32 s31, s11;
	s15 =	sadd.s32 s8, s7;
	s7 =	sadd.s32 s10, s2  }
0xd: {  	s17 =	simm.s32 $0x2000;
	s16 =	smax.u32 s16, $0x1;
	s8 =	sadd.s32 $0x3000, s7  }
0xe: {  	s9 =	sadd.s32 $0x6000, s7;
	s10 =	sadd.s32 $0x9000, s7;
	s11 =	sadd.s32 $0xC000, s7  }
0xf: {  	v0 =	vimm.f32 $0.0e+00;
	s12 =	sadd.s32 $0xF000, s7;
	s13 =	sadd.s32 $0x12000, s7;
	s15 =	sadd.s32 $0x21600, s15  }
.LBB2_1:
0x10: {  	s21 =	simm.s32 $0x0;
	s22 =	simm.s32 $0x200  }
.LBB2_2:
0x11: {  	p0 =	sne.s32 s22, $0xC600;
	[tilespmem:s21+$0x2070] =	vst v0  }
0x12: {  	[tilespmem:s21+$0x2000] =	vst v0  }
0x13: {  	[tilespmem:s21+$0x2010] =	vst v0  }
.Ltmp0:
0x14: {  	[tilespmem:s21+$0x2020] =	vst v0;
	(pc) =	sbr.rel @p0 .LBB2_2-.Ltmp0, $4  }
0x15: {  	[tilespmem:s21+$0x2030] =	vst v0  }
0x16: {  	[tilespmem:s21+$0x2040] =	vst v0  }
0x17: {  	[tilespmem:s21+$0x2050] =	vst v0  }
0x18: {  	[tilespmem:s21+$0x2060] =	vst v0;
	s21 =	sshra.s32 s22, $0x2;
	s22 =	sadd.s32 $0x200, s22  }
0x19: {  	[tilespmem:s21+$0x2070] =	vst v0  }
0x1a: {  	[tilespmem:s21+$0x2000] =	vst v0  }
0x1b: {  	[tilespmem:s21+$0x2010] =	vst v0  }
0x1c: {  	[tilespmem:s21+$0x2020] =	vst v0  }
0x1d: {  	[tilespmem:s21+$0x2030] =	vst v0  }
0x1e: {  	[tilespmem:s21+$0x2040] =	vst v0  }
0x1f: {  	[tilespmem:s21+$0x2050] =	vst v0  }
0x20: {  	[tilespmem:s21+$0x2060] =	vst v0  }
0x21: {  	[spmem:s7] =	stream.linear.scatter [tilespmem:s17], [sflag:$0x4], $0x3000, $0x38;
	[tilespmem:$0x1F800] =	vst v63  }
0x22: {  	_ =	swait.ge [sflag:s18], $0x3000  }
0x23: {  	[sflag:s18] =	ssyncset.done $0x0  }
0x24: {  	[sflag:s18] =	ssyncadd.s32 $0xFFFFD000  }
0x25: {  	[spmem:s8] =	stream.linear.scatter [tilespmem:s17], [sflag:$0x4], $0x3000, $0x38;
	[tilespmem:$0x1F800] =	vst v63  }
0x26: {  	_ =	swait.ge [sflag:s18], $0x3000  }
0x27: {  	[sflag:s18] =	ssyncset.done $0x0  }
0x28: {  	[sflag:s18] =	ssyncadd.s32 $0xFFFFD000  }
0x29: {  	[spmem:s9] =	stream.linear.scatter [tilespmem:s17], [sflag:$0x4], $0x3000, $0x38;
	[tilespmem:$0x1F800] =	vst v63  }
0x2a: {  	_ =	swait.ge [sflag:s18], $0x3000  }
0x2b: {  	[sflag:s18] =	ssyncset.done $0x0  }
0x2c: {  	[sflag:s18] =	ssyncadd.s32 $0xFFFFD000  }
0x2d: {  	[spmem:s10] =	stream.linear.scatter [tilespmem:s17], [sflag:$0x4], $0x3000, $0x38;
	[tilespmem:$0x1F800] =	vst v63  }
0x2e: {  	_ =	swait.ge [sflag:s18], $0x3000  }
0x2f: {  	[sflag:s18] =	ssyncset.done $0x0  }
0x30: {  	[sflag:s18] =	ssyncadd.s32 $0xFFFFD000  }
0x31: {  	[spmem:s11] =	stream.linear.scatter [tilespmem:s17], [sflag:$0x4], $0x3000, $0x38;
	[tilespmem:$0x1F800] =	vst v63  }
0x32: {  	_ =	swait.ge [sflag:s18], $0x3000  }
0x33: {  	[sflag:s18] =	ssyncset.done $0x0  }
0x34: {  	[sflag:s18] =	ssyncadd.s32 $0xFFFFD000  }
0x35: {  	[spmem:s12] =	stream.linear.scatter [tilespmem:s17], [sflag:$0x4], $0x3000, $0x38;
	[tilespmem:$0x1F800] =	vst v63  }
0x36: {  	_ =	swait.ge [sflag:s18], $0x3000  }
0x37: {  	[sflag:s18] =	ssyncset.done $0x0  }
0x38: {  	[sflag:s18] =	ssyncadd.s32 $0xFFFFD000  }
0x39: {  	[spmem:s13] =	stream.linear.scatter [tilespmem:s17], [sflag:$0x4], $0x1C00, $0x38;
	[tilespmem:$0x1F800] =	vst v63  }
0x3a: {  	_ =	swait.ge [sflag:s18], $0x1C00  }
0x3b: {  	[sflag:s18] =	ssyncset.done $0x0  }
0x3c: {  	[sflag:s18] =	ssyncadd.s32 $0xFFFFE400  }
0x3d: {  	s21 =	simm.s32 $0x0;
	s22 =	simm.s32 $0x0;
	[bflag:$0x0] =	sbarrier.arrive $0xFFFF  }
.LBB2_4:
0x3e: {  	s23 =	sshll.u32 s22, $0x9  }
0x3f: {  	s23 =	sadd.s32 s14, s23  }
0x40: {  	s24 =	sadd.s32 s5, s23  }
0x41: {  	[tilespmem:s21], [sflag:$0x4] =	stream.linear.gather [hbm4b:s24+s21], $0xC80, $0x38;
	[tilespmem:$0x1F800] =	vst v63  }
0x42: {  	_ =	swait.ge [sflag:s18], $0xC80  }
0x43: {  	[sflag:s18] =	ssyncset.done $0x0  }
0x44: {  	s23 =	sadd.s32 s6, s23;
	[sflag:s18] =	ssyncadd.s32 $0xFFFFF380  }
0x45: {  	[tilespmem:s19], [sflag:$0x4] =	stream.linear.gather [hbm4b:s23+s21], $0xC80, $0x38;
	[tilespmem:$0x1F800] =	vst v63  }
0x46: {  	_ =	swait.ge [sflag:s18], $0xC80  }
0x47: {  	s25 =	simm.s32 $0x0;
	[sflag:s18] =	ssyncset.done $0x0  }
0x48: {  	s24 =	simm.s32 $0x0;
	s23 =	simm.s32 $0xF00;
	[sflag:s18] =	ssyncadd.s32 $0xFFFFF380  }
.LBB2_5:
0x49: {  	p0 =	sgt.u32 s25, $0x18  }
0x4a: {  	s26 =	smul.u32 @!p0 $0xAB, s25;
	_ =	sdelay $0x1  }
0x4b: {  	s26 =	sshrl.u32 @!p0 s26, $0x9  }
0x4c: {  	s26 =	sand.u32 @!p0 $0x7F, s26  }
0x4d: {  	s26 =	smul.u32 @!p0 $0x3, s26;
	_ =	sdelay $0x1  }
0x4e: {  	s26 =	ssub.s32 @!p0 s25, s26  }
0x4f: {  	s26 =	sand.u32 @!p0 $0xFF, s26  }
0x50: {  	s28 =	smul.u32 @!p0 $0xD000, s26;
	_ =	sdelay $0x1  }
0x51: {  	s29 =	simm.s32 @!p0 $0x64;
	s28 =	sshrl.u32 @!p0 s28, $0x2  }
0x52: {  	p1 =	slt.u32 @!p0 s25, $0x2;
	s26 =	sadd.s32 @!p0 $0x1, s26;
	s28 =	sadd.s32 @!p0 $0x2000, s28  }
0x53: {  	[tilespmem:s28], [sflag:s26] =	stream.indirect.gather @!p0 [hbm4b:s1+s29], $0x80, s24, s29, $0xb8;
	[tilespmem:$0x1F800] =	vst v63  }
0x54: {  	p0 =	por p0, !p1  }
0x55: {  	s26 =	sadd.s32 @p0 $0xFFFFFFFE, s25  }
0x56: {  	s28 =	sand.u32 @p0 $0xFF, s26  }
0x57: {  	s28 =	smul.u32 @p0 $0xAB, s28;
	_ =	sdelay $0x1  }
0x58: {  	s28 =	sshrl.u32 @p0 s28, $0x9  }
0x59: {  	s28 =	smul.u32 @p0 $0x3, s28;
	_ =	sdelay $0x1  }
0x5a: {  	s26 =	ssub.s32 @p0 s26, s28  }
0x5b: {  	s26 =	sand.u32 @p0 $0xFF, s26  }
0x5c: {  	s28 =	smul.u32 @p0 $0xD000, s26;
	s26 =	sadd.s32 @p0 $0x1, s26  }
0x5d: {  	_ =	swait.ge @p0 [sflag:s26], $0x3200  }
0x5e: {  	s28 =	sshrl.u32 @p0 s28, $0x2;
	[sflag:s26] =	ssyncset.done @p0 $0x0  }
0x5f: {  	s28 =	sadd.s32 @p0 $0x2000, s28;
	[sflag:s26] =	ssyncadd.s32 @p0 $0xFFFFCE00  }
0x60: {  	[spmem:s2] =	stream.indirect.scatter.add.f32 @p0 [tilespmem:s28], [sflag:$0x4], $0x80, s23, s20, $0xb8;
	[tilespmem:$0x1F800] =	vst v63  }
0x61: {  	_ =	swait.ge @p0 [sflag:s18], $0x3200  }
0x62: {  	s25 =	sadd.s32 $0x1, s25;
	[sflag:s18] =	ssyncset.done @p0 $0x0  }
0x63: {  	[sflag:s18] =	ssyncadd.s32 @p0 $0xFFFFCE00;
	p0 =	sne.s32 s25, $0x1B  }
.Ltmp1:
0x64: {  	_ = 	snop;
	(pc) =	sbr.rel @p0 .LBB2_5-.Ltmp1, $2  }
0x65: {  	_ =	sdelay $0x2  }
0x66: {  	s24 =	sadd.s32 $0x80, s24;
	s23 =	sadd.s32 $0x80, s23  }
0x67: {  	s22 =	sadd.s32 $0x1, s22  }
0x68: {  	p0 =	sne.s32 s22, $0x4  }
.Ltmp2:
0x69: {  	_ = 	snop;
	(pc) =	sbr.rel @p0 .LBB2_4-.Ltmp2, $1  }
0x6a: {  	_ =	sdelay $0x3  }
0x6b: {  	s4 =	sadd.s32 $0x1, s4  }
0x6c: {  	s21 =	sshll.u32 s3, $0x6;
	[bflag:$0x0] =	sbarrier.arrive $0xFFFF;
	p0 =	sne.s32 s4, s16  }
.Ltmp3:
0x6d: {  	s22 =	sshrl.u32 s7, $0x3;
	s21 =	sor.u32 $0x1C04, s21;
	(pc) =	sbr.rel @p0 .LBB2_1-.Ltmp3, $4  }
0x6e: {  	[hbm:s15], [sflag:s21] =	dma.local [spmem:s22], $0x2780  }
0x6f: {  	_ =	swait.ge [sflag:s18], $0x2780  }
0x70: {  	[sflag:s18] =	ssyncset.done $0x0  }
0x71: {  	[sflag:s18] =	ssyncadd.s32 $0xFFFFD880  }
0x72: {  	_ =	sfence.sel $0x180000  }
0x73: {  	[bflag:$0x0] =	sbarrier.arrive $0xFFFF  }
0x74: {  	p0 =	sne.s32 s3, $0x0;
	_ =	strace $0x9000004A  }
0x75: {  	s0 =	sadd.s32 @!p0 $0x100000, s0;
	[bflag:$0x2] =	sbarrier.arrive $0xFFFF  }
0x76: {  	[sflag:s0] =	ssyncadd.tile.s32 @!p0 $0x1;
	_ =	shalt  }
.Lfunc_end2:
_tile_overlayer_lowered:
.L_overlay_start_2:
0x77: {  	(tag) =	ssettag $0x2  }
0x78: {  	s0 =	rddreg [dreg:$0x0];
	s2 =	stileid.u32  }
0x79: {  	s1 =	rddreg [dreg:$0x1];
	p0 =	sne.s32 s2, $0x0  }
0x7a: {  	s3 =	rddreg [dreg:$0x2];
	[bflag:$0x3] =	sbarrier.arrive $0xFFFF;
	s2 =	simm.s32 @!p0 $0x1C04  }
0x7b: {  	[timem:s3], [sflag:s2] =	dma.local @!p0 [hbm:s0], s1  }
0x7c: {  	s0 =	simm.s32 @!p0 $0x4  }
0x7d: {  	_ =	swait.ge @!p0 [sflag:s0], s1  }
0x7e: {  	s1 =	ssub.s32 @!p0 $0x0, s1;
	[sflag:s0] =	ssyncset.done @!p0 $0x0  }
0x7f: {  	[sflag:s0] =	ssyncadd.s32 @!p0 s1  }
0x80: {  	[bflag:$0x3] =	sbarrier.arrive $0xFFFF  }
0x81: {  	_ =	shalt  }

</sc_bundles>
